<compile_context>
chip_gen: v7x
topology: tpu7x:2x2x1
jax: 0.10.2.dev20260603
libtpu: 0.0.44.dev20260713+nightly
codegen_flags: <defaults>
</compile_context>

<pallas_src>
import functools

import jax
import jax.numpy as jnp
from jax import lax
from jax.experimental import pallas as pl
from jax.experimental.pallas import tpu as pltpu
from jax.experimental.pallas import tpu_sc as plsc

_NC = 2
_NS = 16
_NW = _NC * _NS
_L = 16


@functools.partial(jax.jit, static_argnames=("nb", "hist", "dim"))
def _gather_rows(idx_flat, table_t, nb, hist, dim):
    vocab = table_t.shape[0] // dim
    n_dt = dim // 8
    n_hc = -(-hist // 4)
    n_ch = 2 * (-(-n_hc // 2))
    mesh = plsc.VectorSubcoreMesh(core_axis_name="c", subcore_axis_name="s")

    @functools.partial(
        pl.kernel,
        mesh=mesh,
        compiler_params=pltpu.CompilerParams(needs_layout_passes=False),
        out_type=jax.ShapeDtypeStruct((hist, dim, nb), jnp.float32),
        scratch_types=[
            pltpu.VMEM((8 * vocab,), jnp.float32),
            pltpu.VMEM((nb,), jnp.int32),
            pltpu.VMEM((nb,), jnp.int32),
            pltpu.VMEM((8, nb), jnp.float32),
            pltpu.VMEM((8, nb), jnp.float32),
            pltpu.SemaphoreType.DMA,
            pltpu.SemaphoreType.DMA,
            pltpu.SemaphoreType.DMA,
            pltpu.SemaphoreType.DMA,
            pltpu.SemaphoreType.DMA,
        ],
    )
    def k(idx_hbm, table_hbm, out_hbm, tbl_v, idx0, idx1, st0, st1,
          tsem, isem0, isem1, osem0, osem1):
        idxb = (idx0, idx1)
        stb = (st0, st1)
        isems = (isem0, isem1)
        osems = (osem0, osem1)
        wid = lax.axis_index("s") * _NC + lax.axis_index("c")
        dt = wid % n_dt
        hc = wid // n_dt
        d0 = pl.multiple_of(dt * 8, 8)

        ct = pltpu.async_copy(
            table_hbm.at[pl.ds(d0 * vocab, 8 * vocab)], tbl_v, tsem)

        def h_of(j):
            return jnp.minimum(hc + 4 * j, hist - 1)

        def fire_idx(j, r):
            return pltpu.async_copy(
                idx_hbm.at[pl.ds(h_of(j) * nb, nb)], idxb[r], isems[r])

        def wait_idx(j, r):
            pltpu.make_async_copy(
                idx_hbm.at[pl.ds(h_of(j) * nb, nb)], idxb[r], isems[r]).wait()

        def fire_out(j, r):
            return pltpu.async_copy(
                stb[r], out_hbm.at[h_of(j), pl.ds(d0, 8)], osems[r])

        def wait_out(j, r):
            pltpu.make_async_copy(
                stb[r], out_hbm.at[h_of(j), pl.ds(d0, 8)], osems[r]).wait()

        def compute(j, r):
            iv = idxb[r]
            st = stb[r]
            @plsc.parallel_loop(0, nb // _L, 1, unroll=2)
            def grp(g):
                bidx = iv[pl.ds(g * _L, _L)]
                for dsub in range(8):
                    st[dsub, pl.ds(g * _L, _L)] = plsc.load_gather(
                        tbl_v, [bidx + dsub * vocab])

        for r in (0, 1):
            fire_idx(r, r)
        ct.wait()
        for r in (0, 1):
            wait_idx(r, r)
            compute(r, r)
            fire_idx(r + 2, r)
            fire_out(r, r)

        def body(jj, _):
            j0 = 2 * jj
            for r in (0, 1):
                j = j0 + r
                wait_idx(j, r)
                wait_out(j - 2, r)
                compute(j, r)
                fire_idx(j + 2, r)
                fire_out(j, r)
            return 0

        lax.fori_loop(1, n_ch // 2, body, 0)
        for r in (0, 1):
            wait_idx(n_ch + r, r)
            wait_out(n_ch - 2 + r, r)

    return k(idx_flat, table_t)


def kernel(tensor, weight):
    nb, hist = tensor.shape
    dim = weight.shape[1]
    idx_flat = tensor.astype(jnp.int32).T.reshape(-1)
    table_t = weight.T.reshape(-1)
    out = _gather_rows(idx_flat, table_t, nb=nb, hist=hist, dim=dim)
    return out.transpose(2, 0, 1)

# --- scband reference (transcript-rebuilt; emitter-appended) ---
"""Pipeline reference for scband-word-embedding-83227876262331 (READ-ONLY COPY).

The authoritative reference and input builder live on the scoring server;
editing this copy changes nothing except your own understanding.
"""

import jax, jax.numpy as jnp
import numpy as np

VOCAB = 1000
DIM = 64
PAD = 0
BATCH = 1024
HIST = 50

def setup_inputs(seed: int = 0) -> dict:
    key = jax.random.key(seed)
    k1, k2 = jax.random.split(key)
    tensor = jax.random.randint(k1, (BATCH, HIST), 0, VOCAB, dtype=jnp.int64 if jax.config.jax_enable_x64 else jnp.int32)
    weight = jax.random.normal(k2, (VOCAB, DIM), dtype=jnp.float32)
    weight = weight.at[PAD].set(0.0)
    return {"tensor": tensor, "weight": weight}

def reference(tensor, weight):
    # Faithful to the torch module: 2-D int input -> one-hot matmul against the table.
    onehot = jax.nn.one_hot(tensor, VOCAB, dtype=jnp.float32)
    return jnp.matmul(onehot, weight)

if __name__ == "__main__":
    import jax
    _d = setup_inputs()
    print(jax.jit(kernel)(*tuple(_d.values())))

</pallas_src>

<mosaic_0001>
#map = affine_map<(d0, d1) -> (0)>
#map1 = affine_map<(d0, d1) -> (0, 0, 0)>
module attributes {stable_mosaic.version = 14 : i64} {
  func.func @k(%arg0: i32, %arg1: i32, %arg2: memref<51200xi32, #tpu.memory_space<hbm>>, %arg3: memref<64000xf32, #tpu.memory_space<hbm>>, %arg4: memref<50x64x1024xf32, #tpu.memory_space<hbm>>, %arg5: memref<8000xf32, #tpu.memory_space<vmem>>, %arg6: memref<1024xi32, #tpu.memory_space<vmem>>, %arg7: memref<1024xi32, #tpu.memory_space<vmem>>, %arg8: memref<8x1024xf32, #tpu.memory_space<vmem>>, %arg9: memref<8x1024xf32, #tpu.memory_space<vmem>>, %arg10: memref<!tpu.dma_semaphore, #tpu.memory_space<semaphore_mem>>, %arg11: memref<!tpu.dma_semaphore, #tpu.memory_space<semaphore_mem>>, %arg12: memref<!tpu.dma_semaphore, #tpu.memory_space<semaphore_mem>>, %arg13: memref<!tpu.dma_semaphore, #tpu.memory_space<semaphore_mem>>, %arg14: memref<!tpu.dma_semaphore, #tpu.memory_space<semaphore_mem>>) attributes {dimension_semantics = [#tpu.dimension_semantics<core_parallel>, #tpu.dimension_semantics<subcore_parallel>], iteration_bounds = array<i64: 2, 16>, scalar_prefetch = 0 : i64, scratch_operands = 10 : i64, tpu.core_type = #tpu.core_type<sc_vector_subcore>, window_params = [{transform_indices = #map}, {transform_indices = #map}, {transform_indices = #map1}]} {
    %mul3A = arith.constant 2 : i32
    %mul3A_0 = arith.muli %arg1, %mul3A : i32
    %add3A = arith.addi %mul3A_0, %arg0 : i32
    %jit3A = arith.constant 8 : i32
    %eq3A = arith.constant 0 : i32
    %eq3A_1 = arith.cmpi eq, %jit3A, %eq3A : i32
    %jit3A_2 = arith.constant 1 : i32
    %select_n3A = arith.select %eq3A_1, %jit3A_2, %jit3A : i32
    %rem3A = arith.remsi %add3A, %select_n3A : i32
    %ne3A = arith.constant 0 : i32
    %ne3A_3 = arith.cmpi ne, %rem3A, %ne3A : i32
    %lt3A = arith.constant 0 : i32
    %lt3A_4 = arith.cmpi slt, %rem3A, %lt3A : i32
    %lt3A_5 = arith.constant 0 : i32
    %lt3A_6 = arith.cmpi slt, %select_n3A, %lt3A_5 : i32
    %ne3A_7 = arith.xori %lt3A_4, %lt3A_6 : i1
    %and3A = arith.andi %ne3A_7, %ne3A_3 : i1
    %add3A_8 = arith.addi %rem3A, %select_n3A : i32
    %select_n3A_9 = arith.select %and3A, %add3A_8, %rem3A : i32
    %jit3A_10 = arith.constant 8 : i32
    %div3A = arith.divsi %add3A, %jit3A_10 : i32
    %sign3A = arith.constant 0 : i32
    %sign3A_11 = arith.cmpi sgt, %add3A, %sign3A : i32
    %sign3A_12 = arith.extui %sign3A_11 : i1 to i32
    %sign3A_13 = arith.constant 0 : i32
    %sign3A_14 = arith.cmpi slt, %add3A, %sign3A_13 : i32
    %sign3A_15 = arith.extui %sign3A_14 : i1 to i32
    %sign3A_16 = arith.subi %sign3A_12, %sign3A_15 : i32
    %sign3A_17 = arith.constant 0 : i32
    %sign3A_18 = arith.cmpi sgt, %jit3A_10, %sign3A_17 : i32
    %sign3A_19 = arith.extui %sign3A_18 : i1 to i32
    %sign3A_20 = arith.constant 0 : i32
    %sign3A_21 = arith.cmpi slt, %jit3A_10, %sign3A_20 : i32
    %sign3A_22 = arith.extui %sign3A_21 : i1 to i32
    %sign3A_23 = arith.subi %sign3A_19, %sign3A_22 : i32
    %ne3A_24 = arith.cmpi ne, %sign3A_16, %sign3A_23 : i32
    %rem3A_25 = arith.remsi %add3A, %jit3A_10 : i32
    %ne3A_26 = arith.constant 0 : i32
    %ne3A_27 = arith.cmpi ne, %rem3A_25, %ne3A_26 : i32
    %and3A_28 = arith.andi %ne3A_24, %ne3A_27 : i1
    %sub3A = arith.constant 1 : i32
    %sub3A_29 = arith.subi %div3A, %sub3A : i32
    %select_n3A_30 = arith.select %and3A_28, %sub3A_29, %div3A : i32
    %mul3A_31 = arith.constant 8 : i32
    %mul3A_32 = arith.muli %select_n3A_9, %mul3A_31 : i32
    %multiple_of3A = tpu.assume_multiple %mul3A_32, 8 : i32
    %mul3A_33 = arith.constant 1000 : i32
    %mul3A_34 = arith.muli %multiple_of3A, %mul3A_33 : i32
    %dma_start3A = tpu.memref_slice %arg3[%mul3A_34] : memref<64000xf32, #tpu.memory_space<hbm>> -> memref<8000xf32, #tpu.memory_space<hbm>>
    %dma_start3A_35 = tpu.memref_slice %arg3[%mul3A_34] : memref<64000xf32, #tpu.memory_space<hbm>> -> memref<8000xf32, #tpu.memory_space<hbm>>
    tpu.enqueue_dma source(%dma_start3A_35 : memref<8000xf32, #tpu.memory_space<hbm>>) target(%arg5 : memref<8000xf32, #tpu.memory_space<vmem>>) target_semaphore(%arg10 : memref<!tpu.dma_semaphore, #tpu.memory_space<semaphore_mem>>)
    %add3A_36 = arith.constant 0 : i32
    %add3A_37 = arith.addi %select_n3A_30, %add3A_36 : i32
    %min3A = arith.constant 49 : i32
    %min3A_38 = arith.minsi %add3A_37, %min3A : i32
    %mul3A_39 = arith.constant 1024 : i32
    %mul3A_40 = arith.muli %min3A_38, %mul3A_39 : i32
    %dma_start3A_41 = tpu.memref_slice %arg2[%mul3A_40] : memref<51200xi32, #tpu.memory_space<hbm>> -> memref<1024xi32, #tpu.memory_space<hbm>>
    %dma_start3A_42 = tpu.memref_slice %arg2[%mul3A_40] : memref<51200xi32, #tpu.memory_space<hbm>> -> memref<1024xi32, #tpu.memory_space<hbm>>
    tpu.enqueue_dma source(%dma_start3A_42 : memref<1024xi32, #tpu.memory_space<hbm>>) target(%arg6 : memref<1024xi32, #tpu.memory_space<vmem>>) target_semaphore(%arg11 : memref<!tpu.dma_semaphore, #tpu.memory_space<semaphore_mem>>)
    %add3A_43 = arith.constant 4 : i32
    %add3A_44 = arith.addi %select_n3A_30, %add3A_43 : i32
    %min3A_45 = arith.constant 49 : i32
    %min3A_46 = arith.minsi %add3A_44, %min3A_45 : i32
    %mul3A_47 = arith.constant 1024 : i32
    %mul3A_48 = arith.muli %min3A_46, %mul3A_47 : i32
    %dma_start3A_49 = tpu.memref_slice %arg2[%mul3A_48] : memref<51200xi32, #tpu.memory_space<hbm>> -> memref<1024xi32, #tpu.memory_space<hbm>>
    %dma_start3A_50 = tpu.memref_slice %arg2[%mul3A_48] : memref<51200xi32, #tpu.memory_space<hbm>> -> memref<1024xi32, #tpu.memory_space<hbm>>
    tpu.enqueue_dma source(%dma_start3A_50 : memref<1024xi32, #tpu.memory_space<hbm>>) target(%arg7 : memref<1024xi32, #tpu.memory_space<vmem>>) target_semaphore(%arg12 : memref<!tpu.dma_semaphore, #tpu.memory_space<semaphore_mem>>)
    %dma_wait3A = tpu.memref_slice %arg3[%mul3A_34] : memref<64000xf32, #tpu.memory_space<hbm>> -> memref<8000xf32, #tpu.memory_space<hbm>>
    %dma_wait3A_51 = tpu.memref_slice %arg3[%mul3A_34] : memref<64000xf32, #tpu.memory_space<hbm>> -> memref<8000xf32, #tpu.memory_space<hbm>>
    tpu.wait_dma2 semaphore(%arg10 : memref<!tpu.dma_semaphore, #tpu.memory_space<semaphore_mem>>) src(%dma_wait3A_51 : memref<8000xf32, #tpu.memory_space<hbm>>) dst(%arg5 : memref<8000xf32, #tpu.memory_space<vmem>>)
    %add3A_52 = arith.constant 0 : i32
    %add3A_53 = arith.addi %select_n3A_30, %add3A_52 : i32
    %min3A_54 = arith.constant 49 : i32
    %min3A_55 = arith.minsi %add3A_53, %min3A_54 : i32
    %mul3A_56 = arith.constant 1024 : i32
    %mul3A_57 = arith.muli %min3A_55, %mul3A_56 : i32
    %dma_wait3A_58 = tpu.memref_slice %arg2[%mul3A_57] : memref<51200xi32, #tpu.memory_space<hbm>> -> memref<1024xi32, #tpu.memory_space<hbm>>
    %dma_wait3A_59 = tpu.memref_slice %arg2[%mul3A_57] : memref<51200xi32, #tpu.memory_space<hbm>> -> memref<1024xi32, #tpu.memory_space<hbm>>
    tpu.wait_dma2 semaphore(%arg11 : memref<!tpu.dma_semaphore, #tpu.memory_space<semaphore_mem>>) src(%dma_wait3A_59 : memref<1024xi32, #tpu.memory_space<hbm>>) dst(%arg6 : memref<1024xi32, #tpu.memory_space<vmem>>)
    %parallel_loop3A = arith.constant 0 : i32
    %parallel_loop3A_60 = arith.constant 64 : i32
    %parallel_loop3A_61 = arith.constant 1 : i32
    scf.for %parallel_loop3A_151 = %parallel_loop3A to %parallel_loop3A_60 step %parallel_loop3A_61  : i32 {
      %parallel_loop3A_152 = arith.constant 16 : i32
      %parallel_loop3A_153 = arith.muli %parallel_loop3A_151, %parallel_loop3A_152 : i32
      %parallel_loop3A_154 = arith.index_cast %parallel_loop3A_153 : i32 to index
      %parallel_loop3A_155 = tpu.vector_load %arg6[%parallel_loop3A_154] {strides = array<i32>} : memref<1024xi32, #tpu.memory_space<vmem>>, vector<16xi32>,
      %parallel_loop3A_156 = arith.constant 0 : i32
      %parallel_loop3A_157 = vector.broadcast %parallel_loop3A_156 : i32 to vector<16xi32>
      %parallel_loop3A_158 = arith.addi %parallel_loop3A_155, %parallel_loop3A_157 : vector<16xi32>
      %parallel_loop3A_159 = tpu.vector_load_idx %arg5[%parallel_loop3A_158] : memref<8000xf32, #tpu.memory_space<vmem>>[vector<16xi32>], vector<16xf32>,
      %parallel_loop3A_160 = arith.constant 16 : i32
      %parallel_loop3A_161 = arith.muli %parallel_loop3A_151, %parallel_loop3A_160 : i32
      %parallel_loop3A_162 = arith.constant 0 : i32
      %parallel_loop3A_163 = arith.index_cast %parallel_loop3A_162 : i32 to index
      %parallel_loop3A_164 = arith.index_cast %parallel_loop3A_161 : i32 to index
      %parallel_loop3A_165 = tpu.vector_load %arg8[%parallel_loop3A_163, %parallel_loop3A_164] {strides = array<i32>} : memref<8x1024xf32, #tpu.memory_space<vmem>>, vector<16xf32>,
      tpu.vector_store %arg8[%parallel_loop3A_163, %parallel_loop3A_164], %parallel_loop3A_159 {strides = array<i32>} : memref<8x1024xf32, #tpu.memory_space<vmem>>, vector<16xf32>,
      %parallel_loop3A_166 = arith.constant 1000 : i32
      %parallel_loop3A_167 = vector.broadcast %parallel_loop3A_166 : i32 to vector<16xi32>
      %parallel_loop3A_168 = arith.addi %parallel_loop3A_155, %parallel_loop3A_167 : vector<16xi32>
      %parallel_loop3A_169 = tpu.vector_load_idx %arg5[%parallel_loop3A_168] : memref<8000xf32, #tpu.memory_space<vmem>>[vector<16xi32>], vector<16xf32>,
      %parallel_loop3A_170 = arith.constant 16 : i32
      %parallel_loop3A_171 = arith.muli %parallel_loop3A_151, %parallel_loop3A_170 : i32
      %parallel_loop3A_172 = arith.constant 1 : i32
      %parallel_loop3A_173 = arith.index_cast %parallel_loop3A_172 : i32 to index
      %parallel_loop3A_174 = arith.index_cast %parallel_loop3A_171 : i32 to index
      %parallel_loop3A_175 = tpu.vector_load %arg8[%parallel_loop3A_173, %parallel_loop3A_174] {strides = array<i32>} : memref<8x1024xf32, #tpu.memory_space<vmem>>, vector<16xf32>,
      tpu.vector_store %arg8[%parallel_loop3A_173, %parallel_loop3A_174], %parallel_loop3A_169 {strides = array<i32>} : memref<8x1024xf32, #tpu.memory_space<vmem>>, vector<16xf32>,
      %parallel_loop3A_176 = arith.constant 2000 : i32
      %parallel_loop3A_177 = vector.broadcast %parallel_loop3A_176 : i32 to vector<16xi32>
      %parallel_loop3A_178 = arith.addi %parallel_loop3A_155, %parallel_loop3A_177 : vector<16xi32>
      %parallel_loop3A_179 = tpu.vector_load_idx %arg5[%parallel_loop3A_178] : memref<8000xf32, #tpu.memory_space<vmem>>[vector<16xi32>], vector<16xf32>,
      %parallel_loop3A_180 = arith.constant 16 : i32
      %parallel_loop3A_181 = arith.muli %parallel_loop3A_151, %parallel_loop3A_180 : i32
      %parallel_loop3A_182 = arith.constant 2 : i32
      %parallel_loop3A_183 = arith.index_cast %parallel_loop3A_182 : i32 to index
      %parallel_loop3A_184 = arith.index_cast %parallel_loop3A_181 : i32 to index
      %parallel_loop3A_185 = tpu.vector_load %arg8[%parallel_loop3A_183, %parallel_loop3A_184] {strides = array<i32>} : memref<8x1024xf32, #tpu.memory_space<vmem>>, vector<16xf32>,
      tpu.vector_store %arg8[%parallel_loop3A_183, %parallel_loop3A_184], %parallel_loop3A_179 {strides = array<i32>} : memref<8x1024xf32, #tpu.memory_space<vmem>>, vector<16xf32>,
      %parallel_loop3A_186 = arith.constant 3000 : i32
      %parallel_loop3A_187 = vector.broadcast %parallel_loop3A_186 : i32 to vector<16xi32>
      %parallel_loop3A_188 = arith.addi %parallel_loop3A_155, %parallel_loop3A_187 : vector<16xi32>
      %parallel_loop3A_189 = tpu.vector_load_idx %arg5[%parallel_loop3A_188] : memref<8000xf32, #tpu.memory_space<vmem>>[vector<16xi32>], vector<16xf32>,
      %parallel_loop3A_190 = arith.constant 16 : i32
      %parallel_loop3A_191 = arith.muli %parallel_loop3A_151, %parallel_loop3A_190 : i32
      %parallel_loop3A_192 = arith.constant 3 : i32
      %parallel_loop3A_193 = arith.index_cast %parallel_loop3A_192 : i32 to index
      %parallel_loop3A_194 = arith.index_cast %parallel_loop3A_191 : i32 to index
      %parallel_loop3A_195 = tpu.vector_load %arg8[%parallel_loop3A_193, %parallel_loop3A_194] {strides = array<i32>} : memref<8x1024xf32, #tpu.memory_space<vmem>>, vector<16xf32>,
      tpu.vector_store %arg8[%parallel_loop3A_193, %parallel_loop3A_194], %parallel_loop3A_189 {strides = array<i32>} : memref<8x1024xf32, #tpu.memory_space<vmem>>, vector<16xf32>,
      %parallel_loop3A_196 = arith.constant 4000 : i32
      %parallel_loop3A_197 = vector.broadcast %parallel_loop3A_196 : i32 to vector<16xi32>
      %parallel_loop3A_198 = arith.addi %parallel_loop3A_155, %parallel_loop3A_197 : vector<16xi32>
      %parallel_loop3A_199 = tpu.vector_load_idx %arg5[%parallel_loop3A_198] : memref<8000xf32, #tpu.memory_space<vmem>>[vector<16xi32>], vector<16xf32>,
      %parallel_loop3A_200 = arith.constant 16 : i32
      %parallel_loop3A_201 = arith.muli %parallel_loop3A_151, %parallel_loop3A_200 : i32
      %parallel_loop3A_202 = arith.constant 4 : i32
      %parallel_loop3A_203 = arith.index_cast %parallel_loop3A_202 : i32 to index
      %parallel_loop3A_204 = arith.index_cast %parallel_loop3A_201 : i32 to index
      %parallel_loop3A_205 = tpu.vector_load %arg8[%parallel_loop3A_203, %parallel_loop3A_204] {strides = array<i32>} : memref<8x1024xf32, #tpu.memory_space<vmem>>, vector<16xf32>,
      tpu.vector_store %arg8[%parallel_loop3A_203, %parallel_loop3A_204], %parallel_loop3A_199 {strides = array<i32>} : memref<8x1024xf32, #tpu.memory_space<vmem>>, vector<16xf32>,
      %parallel_loop3A_206 = arith.constant 5000 : i32
      %parallel_loop3A_207 = vector.broadcast %parallel_loop3A_206 : i32 to vector<16xi32>
      %parallel_loop3A_208 = arith.addi %parallel_loop3A_155, %parallel_loop3A_207 : vector<16xi32>
      %parallel_loop3A_209 = tpu.vector_load_idx %arg5[%parallel_loop3A_208] : memref<8000xf32, #tpu.memory_space<vmem>>[vector<16xi32>], vector<16xf32>,
      %parallel_loop3A_210 = arith.constant 16 : i32
      %parallel_loop3A_211 = arith.muli %parallel_loop3A_151, %parallel_loop3A_210 : i32
      %parallel_loop3A_212 = arith.constant 5 : i32
      %parallel_loop3A_213 = arith.index_cast %parallel_loop3A_212 : i32 to index
      %parallel_loop3A_214 = arith.index_cast %parallel_loop3A_211 : i32 to index
      %parallel_loop3A_215 = tpu.vector_load %arg8[%parallel_loop3A_213, %parallel_loop3A_214] {strides = array<i32>} : memref<8x1024xf32, #tpu.memory_space<vmem>>, vector<16xf32>,
      tpu.vector_store %arg8[%parallel_loop3A_213, %parallel_loop3A_214], %parallel_loop3A_209 {strides = array<i32>} : memref<8x1024xf32, #tpu.memory_space<vmem>>, vector<16xf32>,
      %parallel_loop3A_216 = arith.constant 6000 : i32
      %parallel_loop3A_217 = vector.broadcast %parallel_loop3A_216 : i32 to vector<16xi32>
      %parallel_loop3A_218 = arith.addi %parallel_loop3A_155, %parallel_loop3A_217 : vector<16xi32>
      %parallel_loop3A_219 = tpu.vector_load_idx %arg5[%parallel_loop3A_218] : memref<8000xf32, #tpu.memory_space<vmem>>[vector<16xi32>], vector<16xf32>,
      %parallel_loop3A_220 = arith.constant 16 : i32
      %parallel_loop3A_221 = arith.muli %parallel_loop3A_151, %parallel_loop3A_220 : i32
      %parallel_loop3A_222 = arith.constant 6 : i32
      %parallel_loop3A_223 = arith.index_cast %parallel_loop3A_222 : i32 to index
      %parallel_loop3A_224 = arith.index_cast %parallel_loop3A_221 : i32 to index
      %parallel_loop3A_225 = tpu.vector_load %arg8[%parallel_loop3A_223, %parallel_loop3A_224] {strides = array<i32>} : memref<8x1024xf32, #tpu.memory_space<vmem>>, vector<16xf32>,
      tpu.vector_store %arg8[%parallel_loop3A_223, %parallel_loop3A_224], %parallel_loop3A_219 {strides = array<i32>} : memref<8x1024xf32, #tpu.memory_space<vmem>>, vector<16xf32>,
      %parallel_loop3A_226 = arith.constant 7000 : i32
      %parallel_loop3A_227 = vector.broadcast %parallel_loop3A_226 : i32 to vector<16xi32>
      %parallel_loop3A_228 = arith.addi %parallel_loop3A_155, %parallel_loop3A_227 : vector<16xi32>
      %parallel_loop3A_229 = tpu.vector_load_idx %arg5[%parallel_loop3A_228] : memref<8000xf32, #tpu.memory_space<vmem>>[vector<16xi32>], vector<16xf32>,
      %parallel_loop3A_230 = arith.constant 16 : i32
      %parallel_loop3A_231 = arith.muli %parallel_loop3A_151, %parallel_loop3A_230 : i32
      %parallel_loop3A_232 = arith.constant 7 : i32
      %parallel_loop3A_233 = arith.index_cast %parallel_loop3A_232 : i32 to index
      %parallel_loop3A_234 = arith.index_cast %parallel_loop3A_231 : i32 to index
      %parallel_loop3A_235 = tpu.vector_load %arg8[%parallel_loop3A_233, %parallel_loop3A_234] {strides = array<i32>} : memref<8x1024xf32, #tpu.memory_space<vmem>>, vector<16xf32>,
      tpu.vector_store %arg8[%parallel_loop3A_233, %parallel_loop3A_234], %parallel_loop3A_229 {strides = array<i32>} : memref<8x1024xf32, #tpu.memory_space<vmem>>, vector<16xf32>,
    } {sc.loop_unroll_factor = 2 : i64, sc.parallel_access}
    %add3A_62 = arith.constant 8 : i32
    %add3A_63 = arith.addi %select_n3A_30, %add3A_62 : i32
    %min3A_64 = arith.constant 49 : i32
    %min3A_65 = arith.minsi %add3A_63, %min3A_64 : i32
    %mul3A_66 = arith.constant 1024 : i32
    %mul3A_67 = arith.muli %min3A_65, %mul3A_66 : i32
    %dma_start3A_68 = tpu.memref_slice %arg2[%mul3A_67] : memref<51200xi32, #tpu.memory_space<hbm>> -> memref<1024xi32, #tpu.memory_space<hbm>>
    %dma_start3A_69 = tpu.memref_slice %arg2[%mul3A_67] : memref<51200xi32, #tpu.memory_space<hbm>> -> memref<1024xi32, #tpu.memory_space<hbm>>
    tpu.enqueue_dma source(%dma_start3A_69 : memref<1024xi32, #tpu.memory_space<hbm>>) target(%arg6 : memref<1024xi32, #tpu.memory_space<vmem>>) target_semaphore(%arg11 : memref<!tpu.dma_semaphore, #tpu.memory_space<semaphore_mem>>)
    %add3A_70 = arith.constant 0 : i32
    %add3A_71 = arith.addi %select_n3A_30, %add3A_70 : i32
    %min3A_72 = arith.constant 49 : i32
    %min3A_73 = arith.minsi %add3A_71, %min3A_72 : i32
    %dma_start3A_74 = arith.constant 0 : i32
    %dma_start3A_75 = tpu.memref_slice %arg4[%min3A_73, %multiple_of3A, %dma_start3A_74] : memref<50x64x1024xf32, #tpu.memory_space<hbm>> -> memref<1x8x1024xf32, #tpu.memory_space<hbm>>
    %dma_start3A_76 = tpu.memref_squeeze %dma_start3A_75 : memref<1x8x1024xf32, #tpu.memory_space<hbm>> -> memref<8x1024xf32, #tpu.memory_space<hbm>>
    %dma_start3A_77 = arith.constant 0 : i32
    %dma_start3A_78 = tpu.memref_slice %arg4[%min3A_73, %multiple_of3A, %dma_start3A_77] : memref<50x64x1024xf32, #tpu.memory_space<hbm>> -> memref<1x8x1024xf32, #tpu.memory_space<hbm>>
    %dma_start3A_79 = tpu.memref_squeeze %dma_start3A_78 : memref<1x8x1024xf32, #tpu.memory_space<hbm>> -> memref<8x1024xf32, #tpu.memory_space<hbm>>
    tpu.enqueue_dma source(%arg8 : memref<8x1024xf32, #tpu.memory_space<vmem>>) target(%dma_start3A_79 : memref<8x1024xf32, #tpu.memory_space<hbm>>) target_semaphore(%arg13 : memref<!tpu.dma_semaphore, #tpu.memory_space<semaphore_mem>>)
    %add3A_80 = arith.constant 4 : i32
    %add3A_81 = arith.addi %select_n3A_30, %add3A_80 : i32
    %min3A_82 = arith.constant 49 : i32
    %min3A_83 = arith.minsi %add3A_81, %min3A_82 : i32
    %mul3A_84 = arith.constant 1024 : i32
    %mul3A_85 = arith.muli %min3A_83, %mul3A_84 : i32
    %dma_wait3A_86 = tpu.memref_slice %arg2[%mul3A_85] : memref<51200xi32, #tpu.memory_space<hbm>> -> memref<1024xi32, #tpu.memory_space<hbm>>
    %dma_wait3A_87 = tpu.memref_slice %arg2[%mul3A_85] : memref<51200xi32, #tpu.memory_space<hbm>> -> memref<1024xi32, #tpu.memory_space<hbm>>
    tpu.wait_dma2 semaphore(%arg12 : memref<!tpu.dma_semaphore, #tpu.memory_space<semaphore_mem>>) src(%dma_wait3A_87 : memref<1024xi32, #tpu.memory_space<hbm>>) dst(%arg7 : memref<1024xi32, #tpu.memory_space<vmem>>)
    %parallel_loop3A_88 = arith.constant 0 : i32
    %parallel_loop3A_89 = arith.constant 64 : i32
    %parallel_loop3A_90 = arith.constant 1 : i32
    scf.for %parallel_loop3A_151 = %parallel_loop3A_88 to %parallel_loop3A_89 step %parallel_loop3A_90  : i32 {
      %parallel_loop3A_152 = arith.constant 16 : i32
      %parallel_loop3A_153 = arith.muli %parallel_loop3A_151, %parallel_loop3A_152 : i32
      %parallel_loop3A_154 = arith.index_cast %parallel_loop3A_153 : i32 to index
      %parallel_loop3A_155 = tpu.vector_load %arg7[%parallel_loop3A_154] {strides = array<i32>} : memref<1024xi32, #tpu.memory_space<vmem>>, vector<16xi32>,
      %parallel_loop3A_156 = arith.constant 0 : i32
      %parallel_loop3A_157 = vector.broadcast %parallel_loop3A_156 : i32 to vector<16xi32>
      %parallel_loop3A_158 = arith.addi %parallel_loop3A_155, %parallel_loop3A_157 : vector<16xi32>
      %parallel_loop3A_159 = tpu.vector_load_idx %arg5[%parallel_loop3A_158] : memref<8000xf32, #tpu.memory_space<vmem>>[vector<16xi32>], vector<16xf32>,
      %parallel_loop3A_160 = arith.constant 16 : i32
      %parallel_loop3A_161 = arith.muli %parallel_loop3A_151, %parallel_loop3A_160 : i32
      %parallel_loop3A_162 = arith.constant 0 : i32
      %parallel_loop3A_163 = arith.index_cast %parallel_loop3A_162 : i32 to index
      %parallel_loop3A_164 = arith.index_cast %parallel_loop3A_161 : i32 to index
      %parallel_loop3A_165 = tpu.vector_load %arg9[%parallel_loop3A_163, %parallel_loop3A_164] {strides = array<i32>} : memref<8x1024xf32, #tpu.memory_space<vmem>>, vector<16xf32>,
      tpu.vector_store %arg9[%parallel_loop3A_163, %parallel_loop3A_164], %parallel_loop3A_159 {strides = array<i32>} : memref<8x1024xf32, #tpu.memory_space<vmem>>, vector<16xf32>,
      %parallel_loop3A_166 = arith.constant 1000 : i32
      %parallel_loop3A_167 = vector.broadcast %parallel_loop3A_166 : i32 to vector<16xi32>
      %parallel_loop3A_168 = arith.addi %parallel_loop3A_155, %parallel_loop3A_167 : vector<16xi32>
      %parallel_loop3A_169 = tpu.vector_load_idx %arg5[%parallel_loop3A_168] : memref<8000xf32, #tpu.memory_space<vmem>>[vector<16xi32>], vector<16xf32>,
      %parallel_loop3A_170 = arith.constant 16 : i32
      %parallel_loop3A_171 = arith.muli %parallel_loop3A_151, %parallel_loop3A_170 : i32
      %parallel_loop3A_172 = arith.constant 1 : i32
      %parallel_loop3A_173 = arith.index_cast %parallel_loop3A_172 : i32 to index
      %parallel_loop3A_174 = arith.index_cast %parallel_loop3A_171 : i32 to index
      %parallel_loop3A_175 = tpu.vector_load %arg9[%parallel_loop3A_173, %parallel_loop3A_174] {strides = array<i32>} : memref<8x1024xf32, #tpu.memory_space<vmem>>, vector<16xf32>,
      tpu.vector_store %arg9[%parallel_loop3A_173, %parallel_loop3A_174], %parallel_loop3A_169 {strides = array<i32>} : memref<8x1024xf32, #tpu.memory_space<vmem>>, vector<16xf32>,
      %parallel_loop3A_176 = arith.constant 2000 : i32
      %parallel_loop3A_177 = vector.broadcast %parallel_loop3A_176 : i32 to vector<16xi32>
      %parallel_loop3A_178 = arith.addi %parallel_loop3A_155, %parallel_loop3A_177 : vector<16xi32>
      %parallel_loop3A_179 = tpu.vector_load_idx %arg5[%parallel_loop3A_178] : memref<8000xf32, #tpu.memory_space<vmem>>[vector<16xi32>], vector<16xf32>,
      %parallel_loop3A_180 = arith.constant 16 : i32
      %parallel_loop3A_181 = arith.muli %parallel_loop3A_151, %parallel_loop3A_180 : i32
      %parallel_loop3A_182 = arith.constant 2 : i32
      %parallel_loop3A_183 = arith.index_cast %parallel_loop3A_182 : i32 to index
      %parallel_loop3A_184 = arith.index_cast %parallel_loop3A_181 : i32 to index
      %parallel_loop3A_185 = tpu.vector_load %arg9[%parallel_loop3A_183, %parallel_loop3A_184] {strides = array<i32>} : memref<8x1024xf32, #tpu.memory_space<vmem>>, vector<16xf32>,
      tpu.vector_store %arg9[%parallel_loop3A_183, %parallel_loop3A_184], %parallel_loop3A_179 {strides = array<i32>} : memref<8x1024xf32, #tpu.memory_space<vmem>>, vector<16xf32>,
      %parallel_loop3A_186 = arith.constant 3000 : i32
      %parallel_loop3A_187 = vector.broadcast %parallel_loop3A_186 : i32 to vector<16xi32>
      %parallel_loop3A_188 = arith.addi %parallel_loop3A_155, %parallel_loop3A_187 : vector<16xi32>
      %parallel_loop3A_189 = tpu.vector_load_idx %arg5[%parallel_loop3A_188] : memref<8000xf32, #tpu.memory_space<vmem>>[vector<16xi32>], vector<16xf32>,
      %parallel_loop3A_190 = arith.constant 16 : i32
      %parallel_loop3A_191 = arith.muli %parallel_loop3A_151, %parallel_loop3A_190 : i32
      %parallel_loop3A_192 = arith.constant 3 : i32
      %parallel_loop3A_193 = arith.index_cast %parallel_loop3A_192 : i32 to index
      %parallel_loop3A_194 = arith.index_cast %parallel_loop3A_191 : i32 to index
      %parallel_loop3A_195 = tpu.vector_load %arg9[%parallel_loop3A_193, %parallel_loop3A_194] {strides = array<i32>} : memref<8x1024xf32, #tpu.memory_space<vmem>>, vector<16xf32>,
      tpu.vector_store %arg9[%parallel_loop3A_193, %parallel_loop3A_194], %parallel_loop3A_189 {strides = array<i32>} : memref<8x1024xf32, #tpu.memory_space<vmem>>, vector<16xf32>,
      %parallel_loop3A_196 = arith.constant 4000 : i32
      %parallel_loop3A_197 = vector.broadcast %parallel_loop3A_196 : i32 to vector<16xi32>
      %parallel_loop3A_198 = arith.addi %parallel_loop3A_155, %parallel_loop3A_197 : vector<16xi32>
      %parallel_loop3A_199 = tpu.vector_load_idx %arg5[%parallel_loop3A_198] : memref<8000xf32, #tpu.memory_space<vmem>>[vector<16xi32>], vector<16xf32>,
      %parallel_loop3A_200 = arith.constant 16 : i32
      %parallel_loop3A_201 = arith.muli %parallel_loop3A_151, %parallel_loop3A_200 : i32
      %parallel_loop3A_202 = arith.constant 4 : i32
      %parallel_loop3A_203 = arith.index_cast %parallel_loop3A_202 : i32 to index
      %parallel_loop3A_204 = arith.index_cast %parallel_loop3A_201 : i32 to index
      %parallel_loop3A_205 = tpu.vector_load %arg9[%parallel_loop3A_203, %parallel_loop3A_204] {strides = array<i32>} : memref<8x1024xf32, #tpu.memory_space<vmem>>, vector<16xf32>,
      tpu.vector_store %arg9[%parallel_loop3A_203, %parallel_loop3A_204], %parallel_loop3A_199 {strides = array<i32>} : memref<8x1024xf32, #tpu.memory_space<vmem>>, vector<16xf32>,
      %parallel_loop3A_206 = arith.constant 5000 : i32
      %parallel_loop3A_207 = vector.broadcast %parallel_loop3A_206 : i32 to vector<16xi32>
      %parallel_loop3A_208 = arith.addi %parallel_loop3A_155, %parallel_loop3A_207 : vector<16xi32>
      %parallel_loop3A_209 = tpu.vector_load_idx %arg5[%parallel_loop3A_208] : memref<8000xf32, #tpu.memory_space<vmem>>[vector<16xi32>], vector<16xf32>,
      %parallel_loop3A_210 = arith.constant 16 : i32
      %parallel_loop3A_211 = arith.muli %parallel_loop3A_151, %parallel_loop3A_210 : i32
      %parallel_loop3A_212 = arith.constant 5 : i32
      %parallel_loop3A_213 = arith.index_cast %parallel_loop3A_212 : i32 to index
      %parallel_loop3A_214 = arith.index_cast %parallel_loop3A_211 : i32 to index
      %parallel_loop3A_215 = tpu.vector_load %arg9[%parallel_loop3A_213, %parallel_loop3A_214] {strides = array<i32>} : memref<8x1024xf32, #tpu.memory_space<vmem>>, vector<16xf32>,
      tpu.vector_store %arg9[%parallel_loop3A_213, %parallel_loop3A_214], %parallel_loop3A_209 {strides = array<i32>} : memref<8x1024xf32, #tpu.memory_space<vmem>>, vector<16xf32>,
      %parallel_loop3A_216 = arith.constant 6000 : i32
      %parallel_loop3A_217 = vector.broadcast %parallel_loop3A_216 : i32 to vector<16xi32>
      %parallel_loop3A_218 = arith.addi %parallel_loop3A_155, %parallel_loop3A_217 : vector<16xi32>
      %parallel_loop3A_219 = tpu.vector_load_idx %arg5[%parallel_loop3A_218] : memref<8000xf32, #tpu.memory_space<vmem>>[vector<16xi32>], vector<16xf32>,
      %parallel_loop3A_220 = arith.constant 16 : i32
      %parallel_loop3A_221 = arith.muli %parallel_loop3A_151, %parallel_loop3A_220 : i32
      %parallel_loop3A_222 = arith.constant 6 : i32
      %parallel_loop3A_223 = arith.index_cast %parallel_loop3A_222 : i32 to index
      %parallel_loop3A_224 = arith.index_cast %parallel_loop3A_221 : i32 to index
      %parallel_loop3A_225 = tpu.vector_load %arg9[%parallel_loop3A_223, %parallel_loop3A_224] {strides = array<i32>} : memref<8x1024xf32, #tpu.memory_space<vmem>>, vector<16xf32>,
      tpu.vector_store %arg9[%parallel_loop3A_223, %parallel_loop3A_224], %parallel_loop3A_219 {strides = array<i32>} : memref<8x1024xf32, #tpu.memory_space<vmem>>, vector<16xf32>,
      %parallel_loop3A_226 = arith.constant 7000 : i32
      %parallel_loop3A_227 = vector.broadcast %parallel_loop3A_226 : i32 to vector<16xi32>
      %parallel_loop3A_228 = arith.addi %parallel_loop3A_155, %parallel_loop3A_227 : vector<16xi32>
      %parallel_loop3A_229 = tpu.vector_load_idx %arg5[%parallel_loop3A_228] : memref<8000xf32, #tpu.memory_space<vmem>>[vector<16xi32>], vector<16xf32>,
      %parallel_loop3A_230 = arith.constant 16 : i32
      %parallel_loop3A_231 = arith.muli %parallel_loop3A_151, %parallel_loop3A_230 : i32
      %parallel_loop3A_232 = arith.constant 7 : i32
      %parallel_loop3A_233 = arith.index_cast %parallel_loop3A_232 : i32 to index
      %parallel_loop3A_234 = arith.index_cast %parallel_loop3A_231 : i32 to index
      %parallel_loop3A_235 = tpu.vector_load %arg9[%parallel_loop3A_233, %parallel_loop3A_234] {strides = array<i32>} : memref<8x1024xf32, #tpu.memory_space<vmem>>, vector<16xf32>,
      tpu.vector_store %arg9[%parallel_loop3A_233, %parallel_loop3A_234], %parallel_loop3A_229 {strides = array<i32>} : memref<8x1024xf32, #tpu.memory_space<vmem>>, vector<16xf32>,
    } {sc.loop_unroll_factor = 2 : i64, sc.parallel_access}
    %add3A_91 = arith.constant 12 : i32
    %add3A_92 = arith.addi %select_n3A_30, %add3A_91 : i32
    %min3A_93 = arith.constant 49 : i32
    %min3A_94 = arith.minsi %add3A_92, %min3A_93 : i32
    %mul3A_95 = arith.constant 1024 : i32
    %mul3A_96 = arith.muli %min3A_94, %mul3A_95 : i32
    %dma_start3A_97 = tpu.memref_slice %arg2[%mul3A_96] : memref<51200xi32, #tpu.memory_space<hbm>> -> memref<1024xi32, #tpu.memory_space<hbm>>
    %dma_start3A_98 = tpu.memref_slice %arg2[%mul3A_96] : memref<51200xi32, #tpu.memory_space<hbm>> -> memref<1024xi32, #tpu.memory_space<hbm>>
    tpu.enqueue_dma source(%dma_start3A_98 : memref<1024xi32, #tpu.memory_space<hbm>>) target(%arg7 : memref<1024xi32, #tpu.memory_space<vmem>>) target_semaphore(%arg12 : memref<!tpu.dma_semaphore, #tpu.memory_space<semaphore_mem>>)
    %add3A_99 = arith.constant 4 : i32
    %add3A_100 = arith.addi %select_n3A_30, %add3A_99 : i32
    %min3A_101 = arith.constant 49 : i32
    %min3A_102 = arith.minsi %add3A_100, %min3A_101 : i32
    %dma_start3A_103 = arith.constant 0 : i32
    %dma_start3A_104 = tpu.memref_slice %arg4[%min3A_102, %multiple_of3A, %dma_start3A_103] : memref<50x64x1024xf32, #tpu.memory_space<hbm>> -> memref<1x8x1024xf32, #tpu.memory_space<hbm>>
    %dma_start3A_105 = tpu.memref_squeeze %dma_start3A_104 : memref<1x8x1024xf32, #tpu.memory_space<hbm>> -> memref<8x1024xf32, #tpu.memory_space<hbm>>
    %dma_start3A_106 = arith.constant 0 : i32
    %dma_start3A_107 = tpu.memref_slice %arg4[%min3A_102, %multiple_of3A, %dma_start3A_106] : memref<50x64x1024xf32, #tpu.memory_space<hbm>> -> memref<1x8x1024xf32, #tpu.memory_space<hbm>>
    %dma_start3A_108 = tpu.memref_squeeze %dma_start3A_107 : memref<1x8x1024xf32, #tpu.memory_space<hbm>> -> memref<8x1024xf32, #tpu.memory_space<hbm>>
    tpu.enqueue_dma source(%arg9 : memref<8x1024xf32, #tpu.memory_space<vmem>>) target(%dma_start3A_108 : memref<8x1024xf32, #tpu.memory_space<hbm>>) target_semaphore(%arg14 : memref<!tpu.dma_semaphore, #tpu.memory_space<semaphore_mem>>)
    %scan3A = arith.constant 0 : i32
    %scan3A_109 = arith.constant 1 : i32
    %scan3A_110 = arith.constant 6 : i32
    %scan3A_111 = arith.addi %scan3A_109, %scan3A_110 : i32
    %scan3A_112 = arith.constant 1 : i32
    %scan3A_113 = scf.for %scan3A_151 = %scan3A_109 to %scan3A_111 step %scan3A_112 iter_args(%scan3A_152 = %scan3A) -> (i32)  : i32 {
      %mul3A_153 = arith.constant 2 : i32
      %mul3A_154 = arith.muli %mul3A_153, %scan3A_151 : i32
      %add3A_155 = arith.constant 0 : i32
      %add3A_156 = arith.addi %mul3A_154, %add3A_155 : i32
      %mul3A_157 = arith.constant 4 : i32
      %mul3A_158 = arith.muli %mul3A_157, %add3A_156 : i32
      %add3A_159 = arith.addi %select_n3A_30, %mul3A_158 : i32
      %min3A_160 = arith.constant 49 : i32
      %min3A_161 = arith.minsi %add3A_159, %min3A_160 : i32
      %mul3A_162 = arith.constant 1024 : i32
      %mul3A_163 = arith.muli %min3A_161, %mul3A_162 : i32
      %dma_wait3A_164 = tpu.memref_slice %arg2[%mul3A_163] : memref<51200xi32, #tpu.memory_space<hbm>> -> memref<1024xi32, #tpu.memory_space<hbm>>
      %dma_wait3A_165 = tpu.memref_slice %arg2[%mul3A_163] : memref<51200xi32, #tpu.memory_space<hbm>> -> memref<1024xi32, #tpu.memory_space<hbm>>
      tpu.wait_dma2 semaphore(%arg11 : memref<!tpu.dma_semaphore, #tpu.memory_space<semaphore_mem>>) src(%dma_wait3A_165 : memref<1024xi32, #tpu.memory_space<hbm>>) dst(%arg6 : memref<1024xi32, #tpu.memory_space<vmem>>)
      %sub3A_166 = arith.constant 2 : i32
      %sub3A_167 = arith.subi %add3A_156, %sub3A_166 : i32
      %mul3A_168 = arith.constant 4 : i32
      %mul3A_169 = arith.muli %mul3A_168, %sub3A_167 : i32
      %add3A_170 = arith.addi %select_n3A_30, %mul3A_169 : i32
      %min3A_171 = arith.constant 49 : i32
      %min3A_172 = arith.minsi %add3A_170, %min3A_171 : i32
      %dma_wait3A_173 = arith.constant 0 : i32
      %dma_wait3A_174 = tpu.memref_slice %arg4[%min3A_172, %multiple_of3A, %dma_wait3A_173] : memref<50x64x1024xf32, #tpu.memory_space<hbm>> -> memref<1x8x1024xf32, #tpu.memory_space<hbm>>
      %dma_wait3A_175 = tpu.memref_squeeze %dma_wait3A_174 : memref<1x8x1024xf32, #tpu.memory_space<hbm>> -> memref<8x1024xf32, #tpu.memory_space<hbm>>
      %dma_wait3A_176 = arith.constant 0 : i32
      %dma_wait3A_177 = tpu.memref_slice %arg4[%min3A_172, %multiple_of3A, %dma_wait3A_176] : memref<50x64x1024xf32, #tpu.memory_space<hbm>> -> memref<1x8x1024xf32, #tpu.memory_space<hbm>>
      %dma_wait3A_178 = tpu.memref_squeeze %dma_wait3A_177 : memref<1x8x1024xf32, #tpu.memory_space<hbm>> -> memref<8x1024xf32, #tpu.memory_space<hbm>>
      tpu.wait_dma2 semaphore(%arg13 : memref<!tpu.dma_semaphore, #tpu.memory_space<semaphore_mem>>) src(%arg8 : memref<8x1024xf32, #tpu.memory_space<vmem>>) dst(%dma_wait3A_178 : memref<8x1024xf32, #tpu.memory_space<hbm>>)
      %parallel_loop3A_179 = arith.constant 0 : i32
      %parallel_loop3A_180 = arith.constant 64 : i32
      %parallel_loop3A_181 = arith.constant 1 : i32
      scf.for %parallel_loop3A_254 = %parallel_loop3A_179 to %parallel_loop3A_180 step %parallel_loop3A_181  : i32 {
        %parallel_loop3A_255 = arith.constant 16 : i32
        %parallel_loop3A_256 = arith.muli %parallel_loop3A_254, %parallel_loop3A_255 : i32
        %parallel_loop3A_257 = arith.index_cast %parallel_loop3A_256 : i32 to index
        %parallel_loop3A_258 = tpu.vector_load %arg6[%parallel_loop3A_257] {strides = array<i32>} : memref<1024xi32, #tpu.memory_space<vmem>>, vector<16xi32>,
        %parallel_loop3A_259 = arith.constant 0 : i32
        %parallel_loop3A_260 = vector.broadcast %parallel_loop3A_259 : i32 to vector<16xi32>
        %parallel_loop3A_261 = arith.addi %parallel_loop3A_258, %parallel_loop3A_260 : vector<16xi32>
        %parallel_loop3A_262 = tpu.vector_load_idx %arg5[%parallel_loop3A_261] : memref<8000xf32, #tpu.memory_space<vmem>>[vector<16xi32>], vector<16xf32>,
        %parallel_loop3A_263 = arith.constant 16 : i32
        %parallel_loop3A_264 = arith.muli %parallel_loop3A_254, %parallel_loop3A_263 : i32
        %parallel_loop3A_265 = arith.constant 0 : i32
        %parallel_loop3A_266 = arith.index_cast %parallel_loop3A_265 : i32 to index
        %parallel_loop3A_267 = arith.index_cast %parallel_loop3A_264 : i32 to index
        %parallel_loop3A_268 = tpu.vector_load %arg8[%parallel_loop3A_266, %parallel_loop3A_267] {strides = array<i32>} : memref<8x1024xf32, #tpu.memory_space<vmem>>, vector<16xf32>,
        tpu.vector_store %arg8[%parallel_loop3A_266, %parallel_loop3A_267], %parallel_loop3A_262 {strides = array<i32>} : memref<8x1024xf32, #tpu.memory_space<vmem>>, vector<16xf32>,
        %parallel_loop3A_269 = arith.constant 1000 : i32
        %parallel_loop3A_270 = vector.broadcast %parallel_loop3A_269 : i32 to vector<16xi32>
        %parallel_loop3A_271 = arith.addi %parallel_loop3A_258, %parallel_loop3A_270 : vector<16xi32>
        %parallel_loop3A_272 = tpu.vector_load_idx %arg5[%parallel_loop3A_271] : memref<8000xf32, #tpu.memory_space<vmem>>[vector<16xi32>], vector<16xf32>,
        %parallel_loop3A_273 = arith.constant 16 : i32
        %parallel_loop3A_274 = arith.muli %parallel_loop3A_254, %parallel_loop3A_273 : i32
        %parallel_loop3A_275 = arith.constant 1 : i32
        %parallel_loop3A_276 = arith.index_cast %parallel_loop3A_275 : i32 to index
        %parallel_loop3A_277 = arith.index_cast %parallel_loop3A_274 : i32 to index
        %parallel_loop3A_278 = tpu.vector_load %arg8[%parallel_loop3A_276, %parallel_loop3A_277] {strides = array<i32>} : memref<8x1024xf32, #tpu.memory_space<vmem>>, vector<16xf32>,
        tpu.vector_store %arg8[%parallel_loop3A_276, %parallel_loop3A_277], %parallel_loop3A_272 {strides = array<i32>} : memref<8x1024xf32, #tpu.memory_space<vmem>>, vector<16xf32>,
        %parallel_loop3A_279 = arith.constant 2000 : i32
        %parallel_loop3A_280 = vector.broadcast %parallel_loop3A_279 : i32 to vector<16xi32>
        %parallel_loop3A_281 = arith.addi %parallel_loop3A_258, %parallel_loop3A_280 : vector<16xi32>
        %parallel_loop3A_282 = tpu.vector_load_idx %arg5[%parallel_loop3A_281] : memref<8000xf32, #tpu.memory_space<vmem>>[vector<16xi32>], vector<16xf32>,
        %parallel_loop3A_283 = arith.constant 16 : i32
        %parallel_loop3A_284 = arith.muli %parallel_loop3A_254, %parallel_loop3A_283 : i32
        %parallel_loop3A_285 = arith.constant 2 : i32
        %parallel_loop3A_286 = arith.index_cast %parallel_loop3A_285 : i32 to index
        %parallel_loop3A_287 = arith.index_cast %parallel_loop3A_284 : i32 to index
        %parallel_loop3A_288 = tpu.vector_load %arg8[%parallel_loop3A_286, %parallel_loop3A_287] {strides = array<i32>} : memref<8x1024xf32, #tpu.memory_space<vmem>>, vector<16xf32>,
        tpu.vector_store %arg8[%parallel_loop3A_286, %parallel_loop3A_287], %parallel_loop3A_282 {strides = array<i32>} : memref<8x1024xf32, #tpu.memory_space<vmem>>, vector<16xf32>,
        %parallel_loop3A_289 = arith.constant 3000 : i32
        %parallel_loop3A_290 = vector.broadcast %parallel_loop3A_289 : i32 to vector<16xi32>
        %parallel_loop3A_291 = arith.addi %parallel_loop3A_258, %parallel_loop3A_290 : vector<16xi32>
        %parallel_loop3A_292 = tpu.vector_load_idx %arg5[%parallel_loop3A_291] : memref<8000xf32, #tpu.memory_space<vmem>>[vector<16xi32>], vector<16xf32>,
        %parallel_loop3A_293 = arith.constant 16 : i32
        %parallel_loop3A_294 = arith.muli %parallel_loop3A_254, %parallel_loop3A_293 : i32
        %parallel_loop3A_295 = arith.constant 3 : i32
        %parallel_loop3A_296 = arith.index_cast %parallel_loop3A_295 : i32 to index
        %parallel_loop3A_297 = arith.index_cast %parallel_loop3A_294 : i32 to index
        %parallel_loop3A_298 = tpu.vector_load %arg8[%parallel_loop3A_296, %parallel_loop3A_297] {strides = array<i32>} : memref<8x1024xf32, #tpu.memory_space<vmem>>, vector<16xf32>,
        tpu.vector_store %arg8[%parallel_loop3A_296, %parallel_loop3A_297], %parallel_loop3A_292 {strides = array<i32>} : memref<8x1024xf32, #tpu.memory_space<vmem>>, vector<16xf32>,
        %parallel_loop3A_299 = arith.constant 4000 : i32
        %parallel_loop3A_300 = vector.broadcast %parallel_loop3A_299 : i32 to vector<16xi32>
        %parallel_loop3A_301 = arith.addi %parallel_loop3A_258, %parallel_loop3A_300 : vector<16xi32>
        %parallel_loop3A_302 = tpu.vector_load_idx %arg5[%parallel_loop3A_301] : memref<8000xf32, #tpu.memory_space<vmem>>[vector<16xi32>], vector<16xf32>,
        %parallel_loop3A_303 = arith.constant 16 : i32
        %parallel_loop3A_304 = arith.muli %parallel_loop3A_254, %parallel_loop3A_303 : i32
        %parallel_loop3A_305 = arith.constant 4 : i32
        %parallel_loop3A_306 = arith.index_cast %parallel_loop3A_305 : i32 to index
        %parallel_loop3A_307 = arith.index_cast %parallel_loop3A_304 : i32 to index
        %parallel_loop3A_308 = tpu.vector_load %arg8[%parallel_loop3A_306, %parallel_loop3A_307] {strides = array<i32>} : memref<8x1024xf32, #tpu.memory_space<vmem>>, vector<16xf32>,
        tpu.vector_store %arg8[%parallel_loop3A_306, %parallel_loop3A_307], %parallel_loop3A_302 {strides = array<i32>} : memref<8x1024xf32, #tpu.memory_space<vmem>>, vector<16xf32>,
        %parallel_loop3A_309 = arith.constant 5000 : i32
        %parallel_loop3A_310 = vector.broadcast %parallel_loop3A_309 : i32 to vector<16xi32>
        %parallel_loop3A_311 = arith.addi %parallel_loop3A_258, %parallel_loop3A_310 : vector<16xi32>
        %parallel_loop3A_312 = tpu.vector_load_idx %arg5[%parallel_loop3A_311] : memref<8000xf32, #tpu.memory_space<vmem>>[vector<16xi32>], vector<16xf32>,
        %parallel_loop3A_313 = arith.constant 16 : i32
        %parallel_loop3A_314 = arith.muli %parallel_loop3A_254, %parallel_loop3A_313 : i32
        %parallel_loop3A_315 = arith.constant 5 : i32
        %parallel_loop3A_316 = arith.index_cast %parallel_loop3A_315 : i32 to index
        %parallel_loop3A_317 = arith.index_cast %parallel_loop3A_314 : i32 to index
        %parallel_loop3A_318 = tpu.vector_load %arg8[%parallel_loop3A_316, %parallel_loop3A_317] {strides = array<i32>} : memref<8x1024xf32, #tpu.memory_space<vmem>>, vector<16xf32>,
        tpu.vector_store %arg8[%parallel_loop3A_316, %parallel_loop3A_317], %parallel_loop3A_312 {strides = array<i32>} : memref<8x1024xf32, #tpu.memory_space<vmem>>, vector<16xf32>,
        %parallel_loop3A_319 = arith.constant 6000 : i32
        %parallel_loop3A_320 = vector.broadcast %parallel_loop3A_319 : i32 to vector<16xi32>
        %parallel_loop3A_321 = arith.addi %parallel_loop3A_258, %parallel_loop3A_320 : vector<16xi32>
        %parallel_loop3A_322 = tpu.vector_load_idx %arg5[%parallel_loop3A_321] : memref<8000xf32, #tpu.memory_space<vmem>>[vector<16xi32>], vector<16xf32>,
        %parallel_loop3A_323 = arith.constant 16 : i32
        %parallel_loop3A_324 = arith.muli %parallel_loop3A_254, %parallel_loop3A_323 : i32
        %parallel_loop3A_325 = arith.constant 6 : i32
        %parallel_loop3A_326 = arith.index_cast %parallel_loop3A_325 : i32 to index
        %parallel_loop3A_327 = arith.index_cast %parallel_loop3A_324 : i32 to index
        %parallel_loop3A_328 = tpu.vector_load %arg8[%parallel_loop3A_326, %parallel_loop3A_327] {strides = array<i32>} : memref<8x1024xf32, #tpu.memory_space<vmem>>, vector<16xf32>,
        tpu.vector_store %arg8[%parallel_loop3A_326, %parallel_loop3A_327], %parallel_loop3A_322 {strides = array<i32>} : memref<8x1024xf32, #tpu.memory_space<vmem>>, vector<16xf32>,
        %parallel_loop3A_329 = arith.constant 7000 : i32
        %parallel_loop3A_330 = vector.broadcast %parallel_loop3A_329 : i32 to vector<16xi32>
        %parallel_loop3A_331 = arith.addi %parallel_loop3A_258, %parallel_loop3A_330 : vector<16xi32>
        %parallel_loop3A_332 = tpu.vector_load_idx %arg5[%parallel_loop3A_331] : memref<8000xf32, #tpu.memory_space<vmem>>[vector<16xi32>], vector<16xf32>,
        %parallel_loop3A_333 = arith.constant 16 : i32
        %parallel_loop3A_334 = arith.muli %parallel_loop3A_254, %parallel_loop3A_333 : i32
        %parallel_loop3A_335 = arith.constant 7 : i32
        %parallel_loop3A_336 = arith.index_cast %parallel_loop3A_335 : i32 to index
        %parallel_loop3A_337 = arith.index_cast %parallel_loop3A_334 : i32 to index
        %parallel_loop3A_338 = tpu.vector_load %arg8[%parallel_loop3A_336, %parallel_loop3A_337] {strides = array<i32>} : memref<8x1024xf32, #tpu.memory_space<vmem>>, vector<16xf32>,
        tpu.vector_store %arg8[%parallel_loop3A_336, %parallel_loop3A_337], %parallel_loop3A_332 {strides = array<i32>} : memref<8x1024xf32, #tpu.memory_space<vmem>>, vector<16xf32>,
      } {sc.loop_unroll_factor = 2 : i64, sc.parallel_access}
      %add3A_182 = arith.constant 2 : i32
      %add3A_183 = arith.addi %add3A_156, %add3A_182 : i32
      %mul3A_184 = arith.constant 4 : i32
      %mul3A_185 = arith.muli %mul3A_184, %add3A_183 : i32
      %add3A_186 = arith.addi %select_n3A_30, %mul3A_185 : i32
      %min3A_187 = arith.constant 49 : i32
      %min3A_188 = arith.minsi %add3A_186, %min3A_187 : i32
      %mul3A_189 = arith.constant 1024 : i32
      %mul3A_190 = arith.muli %min3A_188, %mul3A_189 : i32
      %dma_start3A_191 = tpu.memref_slice %arg2[%mul3A_190] : memref<51200xi32, #tpu.memory_space<hbm>> -> memref<1024xi32, #tpu.memory_space<hbm>>
      %dma_start3A_192 = tpu.memref_slice %arg2[%mul3A_190] : memref<51200xi32, #tpu.memory_space<hbm>> -> memref<1024xi32, #tpu.memory_space<hbm>>
      tpu.enqueue_dma source(%dma_start3A_192 : memref<1024xi32, #tpu.memory_space<hbm>>) target(%arg6 : memref<1024xi32, #tpu.memory_space<vmem>>) target_semaphore(%arg11 : memref<!tpu.dma_semaphore, #tpu.memory_space<semaphore_mem>>)
      %mul3A_193 = arith.constant 4 : i32
      %mul3A_194 = arith.muli %mul3A_193, %add3A_156 : i32
      %add3A_195 = arith.addi %select_n3A_30, %mul3A_194 : i32
      %min3A_196 = arith.constant 49 : i32
      %min3A_197 = arith.minsi %add3A_195, %min3A_196 : i32
      %dma_start3A_198 = arith.constant 0 : i32
      %dma_start3A_199 = tpu.memref_slice %arg4[%min3A_197, %multiple_of3A, %dma_start3A_198] : memref<50x64x1024xf32, #tpu.memory_space<hbm>> -> memref<1x8x1024xf32, #tpu.memory_space<hbm>>
      %dma_start3A_200 = tpu.memref_squeeze %dma_start3A_199 : memref<1x8x1024xf32, #tpu.memory_space<hbm>> -> memref<8x1024xf32, #tpu.memory_space<hbm>>
      %dma_start3A_201 = arith.constant 0 : i32
      %dma_start3A_202 = tpu.memref_slice %arg4[%min3A_197, %multiple_of3A, %dma_start3A_201] : memref<50x64x1024xf32, #tpu.memory_space<hbm>> -> memref<1x8x1024xf32, #tpu.memory_space<hbm>>
      %dma_start3A_203 = tpu.memref_squeeze %dma_start3A_202 : memref<1x8x1024xf32, #tpu.memory_space<hbm>> -> memref<8x1024xf32, #tpu.memory_space<hbm>>
      tpu.enqueue_dma source(%arg8 : memref<8x1024xf32, #tpu.memory_space<vmem>>) target(%dma_start3A_203 : memref<8x1024xf32, #tpu.memory_space<hbm>>) target_semaphore(%arg13 : memref<!tpu.dma_semaphore, #tpu.memory_space<semaphore_mem>>)
      %add3A_204 = arith.constant 1 : i32
      %add3A_205 = arith.addi %mul3A_154, %add3A_204 : i32
      %mul3A_206 = arith.constant 4 : i32
      %mul3A_207 = arith.muli %mul3A_206, %add3A_205 : i32
      %add3A_208 = arith.addi %select_n3A_30, %mul3A_207 : i32
      %min3A_209 = arith.constant 49 : i32
      %min3A_210 = arith.minsi %add3A_208, %min3A_209 : i32
      %mul3A_211 = arith.constant 1024 : i32
      %mul3A_212 = arith.muli %min3A_210, %mul3A_211 : i32
      %dma_wait3A_213 = tpu.memref_slice %arg2[%mul3A_212] : memref<51200xi32, #tpu.memory_space<hbm>> -> memref<1024xi32, #tpu.memory_space<hbm>>
      %dma_wait3A_214 = tpu.memref_slice %arg2[%mul3A_212] : memref<51200xi32, #tpu.memory_space<hbm>> -> memref<1024xi32, #tpu.memory_space<hbm>>
      tpu.wait_dma2 semaphore(%arg12 : memref<!tpu.dma_semaphore, #tpu.memory_space<semaphore_mem>>) src(%dma_wait3A_214 : memref<1024xi32, #tpu.memory_space<hbm>>) dst(%arg7 : memref<1024xi32, #tpu.memory_space<vmem>>)
      %sub3A_215 = arith.constant 2 : i32
      %sub3A_216 = arith.subi %add3A_205, %sub3A_215 : i32
      %mul3A_217 = arith.constant 4 : i32
      %mul3A_218 = arith.muli %mul3A_217, %sub3A_216 : i32
      %add3A_219 = arith.addi %select_n3A_30, %mul3A_218 : i32
      %min3A_220 = arith.constant 49 : i32
      %min3A_221 = arith.minsi %add3A_219, %min3A_220 : i32
      %dma_wait3A_222 = arith.constant 0 : i32
      %dma_wait3A_223 = tpu.memref_slice %arg4[%min3A_221, %multiple_of3A, %dma_wait3A_222] : memref<50x64x1024xf32, #tpu.memory_space<hbm>> -> memref<1x8x1024xf32, #tpu.memory_space<hbm>>
      %dma_wait3A_224 = tpu.memref_squeeze %dma_wait3A_223 : memref<1x8x1024xf32, #tpu.memory_space<hbm>> -> memref<8x1024xf32, #tpu.memory_space<hbm>>
      %dma_wait3A_225 = arith.constant 0 : i32
      %dma_wait3A_226 = tpu.memref_slice %arg4[%min3A_221, %multiple_of3A, %dma_wait3A_225] : memref<50x64x1024xf32, #tpu.memory_space<hbm>> -> memref<1x8x1024xf32, #tpu.memory_space<hbm>>
      %dma_wait3A_227 = tpu.memref_squeeze %dma_wait3A_226 : memref<1x8x1024xf32, #tpu.memory_space<hbm>> -> memref<8x1024xf32, #tpu.memory_space<hbm>>
      tpu.wait_dma2 semaphore(%arg14 : memref<!tpu.dma_semaphore, #tpu.memory_space<semaphore_mem>>) src(%arg9 : memref<8x1024xf32, #tpu.memory_space<vmem>>) dst(%dma_wait3A_227 : memref<8x1024xf32, #tpu.memory_space<hbm>>)
      %parallel_loop3A_228 = arith.constant 0 : i32
      %parallel_loop3A_229 = arith.constant 64 : i32
      %parallel_loop3A_230 = arith.constant 1 : i32
      scf.for %parallel_loop3A_254 = %parallel_loop3A_228 to %parallel_loop3A_229 step %parallel_loop3A_230  : i32 {
        %parallel_loop3A_255 = arith.constant 16 : i32
        %parallel_loop3A_256 = arith.muli %parallel_loop3A_254, %parallel_loop3A_255 : i32
        %parallel_loop3A_257 = arith.index_cast %parallel_loop3A_256 : i32 to index
        %parallel_loop3A_258 = tpu.vector_load %arg7[%parallel_loop3A_257] {strides = array<i32>} : memref<1024xi32, #tpu.memory_space<vmem>>, vector<16xi32>,
        %parallel_loop3A_259 = arith.constant 0 : i32
        %parallel_loop3A_260 = vector.broadcast %parallel_loop3A_259 : i32 to vector<16xi32>
        %parallel_loop3A_261 = arith.addi %parallel_loop3A_258, %parallel_loop3A_260 : vector<16xi32>
        %parallel_loop3A_262 = tpu.vector_load_idx %arg5[%parallel_loop3A_261] : memref<8000xf32, #tpu.memory_space<vmem>>[vector<16xi32>], vector<16xf32>,
        %parallel_loop3A_263 = arith.constant 16 : i32
        %parallel_loop3A_264 = arith.muli %parallel_loop3A_254, %parallel_loop3A_263 : i32
        %parallel_loop3A_265 = arith.constant 0 : i32
        %parallel_loop3A_266 = arith.index_cast %parallel_loop3A_265 : i32 to index
        %parallel_loop3A_267 = arith.index_cast %parallel_loop3A_264 : i32 to index
        %parallel_loop3A_268 = tpu.vector_load %arg9[%parallel_loop3A_266, %parallel_loop3A_267] {strides = array<i32>} : memref<8x1024xf32, #tpu.memory_space<vmem>>, vector<16xf32>,
        tpu.vector_store %arg9[%parallel_loop3A_266, %parallel_loop3A_267], %parallel_loop3A_262 {strides = array<i32>} : memref<8x1024xf32, #tpu.memory_space<vmem>>, vector<16xf32>,
        %parallel_loop3A_269 = arith.constant 1000 : i32
        %parallel_loop3A_270 = vector.broadcast %parallel_loop3A_269 : i32 to vector<16xi32>
        %parallel_loop3A_271 = arith.addi %parallel_loop3A_258, %parallel_loop3A_270 : vector<16xi32>
        %parallel_loop3A_272 = tpu.vector_load_idx %arg5[%parallel_loop3A_271] : memref<8000xf32, #tpu.memory_space<vmem>>[vector<16xi32>], vector<16xf32>,
        %parallel_loop3A_273 = arith.constant 16 : i32
        %parallel_loop3A_274 = arith.muli %parallel_loop3A_254, %parallel_loop3A_273 : i32
        %parallel_loop3A_275 = arith.constant 1 : i32
        %parallel_loop3A_276 = arith.index_cast %parallel_loop3A_275 : i32 to index
        %parallel_loop3A_277 = arith.index_cast %parallel_loop3A_274 : i32 to index
        %parallel_loop3A_278 = tpu.vector_load %arg9[%parallel_loop3A_276, %parallel_loop3A_277] {strides = array<i32>} : memref<8x1024xf32, #tpu.memory_space<vmem>>, vector<16xf32>,
        tpu.vector_store %arg9[%parallel_loop3A_276, %parallel_loop3A_277], %parallel_loop3A_272 {strides = array<i32>} : memref<8x1024xf32, #tpu.memory_space<vmem>>, vector<16xf32>,
        %parallel_loop3A_279 = arith.constant 2000 : i32
        %parallel_loop3A_280 = vector.broadcast %parallel_loop3A_279 : i32 to vector<16xi32>
        %parallel_loop3A_281 = arith.addi %parallel_loop3A_258, %parallel_loop3A_280 : vector<16xi32>
        %parallel_loop3A_282 = tpu.vector_load_idx %arg5[%parallel_loop3A_281] : memref<8000xf32, #tpu.memory_space<vmem>>[vector<16xi32>], vector<16xf32>,
        %parallel_loop3A_283 = arith.constant 16 : i32
        %parallel_loop3A_284 = arith.muli %parallel_loop3A_254, %parallel_loop3A_283 : i32
        %parallel_loop3A_285 = arith.constant 2 : i32
        %parallel_loop3A_286 = arith.index_cast %parallel_loop3A_285 : i32 to index
        %parallel_loop3A_287 = arith.index_cast %parallel_loop3A_284 : i32 to index
        %parallel_loop3A_288 = tpu.vector_load %arg9[%parallel_loop3A_286, %parallel_loop3A_287] {strides = array<i32>} : memref<8x1024xf32, #tpu.memory_space<vmem>>, vector<16xf32>,
        tpu.vector_store %arg9[%parallel_loop3A_286, %parallel_loop3A_287], %parallel_loop3A_282 {strides = array<i32>} : memref<8x1024xf32, #tpu.memory_space<vmem>>, vector<16xf32>,
        %parallel_loop3A_289 = arith.constant 3000 : i32
        %parallel_loop3A_290 = vector.broadcast %parallel_loop3A_289 : i32 to vector<16xi32>
        %parallel_loop3A_291 = arith.addi %parallel_loop3A_258, %parallel_loop3A_290 : vector<16xi32>
        %parallel_loop3A_292 = tpu.vector_load_idx %arg5[%parallel_loop3A_291] : memref<8000xf32, #tpu.memory_space<vmem>>[vector<16xi32>], vector<16xf32>,
        %parallel_loop3A_293 = arith.constant 16 : i32
        %parallel_loop3A_294 = arith.muli %parallel_loop3A_254, %parallel_loop3A_293 : i32
        %parallel_loop3A_295 = arith.constant 3 : i32
        %parallel_loop3A_296 = arith.index_cast %parallel_loop3A_295 : i32 to index
        %parallel_loop3A_297 = arith.index_cast %parallel_loop3A_294 : i32 to index
        %parallel_loop3A_298 = tpu.vector_load %arg9[%parallel_loop3A_296, %parallel_loop3A_297] {strides = array<i32>} : memref<8x1024xf32, #tpu.memory_space<vmem>>, vector<16xf32>,
        tpu.vector_store %arg9[%parallel_loop3A_296, %parallel_loop3A_297], %parallel_loop3A_292 {strides = array<i32>} : memref<8x1024xf32, #tpu.memory_space<vmem>>, vector<16xf32>,
        %parallel_loop3A_299 = arith.constant 4000 : i32
        %parallel_loop3A_300 = vector.broadcast %parallel_loop3A_299 : i32 to vector<16xi32>
        %parallel_loop3A_301 = arith.addi %parallel_loop3A_258, %parallel_loop3A_300 : vector<16xi32>
        %parallel_loop3A_302 = tpu.vector_load_idx %arg5[%parallel_loop3A_301] : memref<8000xf32, #tpu.memory_space<vmem>>[vector<16xi32>], vector<16xf32>,
        %parallel_loop3A_303 = arith.constant 16 : i32
        %parallel_loop3A_304 = arith.muli %parallel_loop3A_254, %parallel_loop3A_303 : i32
        %parallel_loop3A_305 = arith.constant 4 : i32
        %parallel_loop3A_306 = arith.index_cast %parallel_loop3A_305 : i32 to index
        %parallel_loop3A_307 = arith.index_cast %parallel_loop3A_304 : i32 to index
        %parallel_loop3A_308 = tpu.vector_load %arg9[%parallel_loop3A_306, %parallel_loop3A_307] {strides = array<i32>} : memref<8x1024xf32, #tpu.memory_space<vmem>>, vector<16xf32>,
        tpu.vector_store %arg9[%parallel_loop3A_306, %parallel_loop3A_307], %parallel_loop3A_302 {strides = array<i32>} : memref<8x1024xf32, #tpu.memory_space<vmem>>, vector<16xf32>,
        %parallel_loop3A_309 = arith.constant 5000 : i32
        %parallel_loop3A_310 = vector.broadcast %parallel_loop3A_309 : i32 to vector<16xi32>
        %parallel_loop3A_311 = arith.addi %parallel_loop3A_258, %parallel_loop3A_310 : vector<16xi32>
        %parallel_loop3A_312 = tpu.vector_load_idx %arg5[%parallel_loop3A_311] : memref<8000xf32, #tpu.memory_space<vmem>>[vector<16xi32>], vector<16xf32>,
        %parallel_loop3A_313 = arith.constant 16 : i32
        %parallel_loop3A_314 = arith.muli %parallel_loop3A_254, %parallel_loop3A_313 : i32
        %parallel_loop3A_315 = arith.constant 5 : i32
        %parallel_loop3A_316 = arith.index_cast %parallel_loop3A_315 : i32 to index
        %parallel_loop3A_317 = arith.index_cast %parallel_loop3A_314 : i32 to index
        %parallel_loop3A_318 = tpu.vector_load %arg9[%parallel_loop3A_316, %parallel_loop3A_317] {strides = array<i32>} : memref<8x1024xf32, #tpu.memory_space<vmem>>, vector<16xf32>,
        tpu.vector_store %arg9[%parallel_loop3A_316, %parallel_loop3A_317], %parallel_loop3A_312 {strides = array<i32>} : memref<8x1024xf32, #tpu.memory_space<vmem>>, vector<16xf32>,
        %parallel_loop3A_319 = arith.constant 6000 : i32
        %parallel_loop3A_320 = vector.broadcast %parallel_loop3A_319 : i32 to vector<16xi32>
        %parallel_loop3A_321 = arith.addi %parallel_loop3A_258, %parallel_loop3A_320 : vector<16xi32>
        %parallel_loop3A_322 = tpu.vector_load_idx %arg5[%parallel_loop3A_321] : memref<8000xf32, #tpu.memory_space<vmem>>[vector<16xi32>], vector<16xf32>,
        %parallel_loop3A_323 = arith.constant 16 : i32
        %parallel_loop3A_324 = arith.muli %parallel_loop3A_254, %parallel_loop3A_323 : i32
        %parallel_loop3A_325 = arith.constant 6 : i32
        %parallel_loop3A_326 = arith.index_cast %parallel_loop3A_325 : i32 to index
        %parallel_loop3A_327 = arith.index_cast %parallel_loop3A_324 : i32 to index
        %parallel_loop3A_328 = tpu.vector_load %arg9[%parallel_loop3A_326, %parallel_loop3A_327] {strides = array<i32>} : memref<8x1024xf32, #tpu.memory_space<vmem>>, vector<16xf32>,
        tpu.vector_store %arg9[%parallel_loop3A_326, %parallel_loop3A_327], %parallel_loop3A_322 {strides = array<i32>} : memref<8x1024xf32, #tpu.memory_space<vmem>>, vector<16xf32>,
        %parallel_loop3A_329 = arith.constant 7000 : i32
        %parallel_loop3A_330 = vector.broadcast %parallel_loop3A_329 : i32 to vector<16xi32>
        %parallel_loop3A_331 = arith.addi %parallel_loop3A_258, %parallel_loop3A_330 : vector<16xi32>
        %parallel_loop3A_332 = tpu.vector_load_idx %arg5[%parallel_loop3A_331] : memref<8000xf32, #tpu.memory_space<vmem>>[vector<16xi32>], vector<16xf32>,
        %parallel_loop3A_333 = arith.constant 16 : i32
        %parallel_loop3A_334 = arith.muli %parallel_loop3A_254, %parallel_loop3A_333 : i32
        %parallel_loop3A_335 = arith.constant 7 : i32
        %parallel_loop3A_336 = arith.index_cast %parallel_loop3A_335 : i32 to index
        %parallel_loop3A_337 = arith.index_cast %parallel_loop3A_334 : i32 to index
        %parallel_loop3A_338 = tpu.vector_load %arg9[%parallel_loop3A_336, %parallel_loop3A_337] {strides = array<i32>} : memref<8x1024xf32, #tpu.memory_space<vmem>>, vector<16xf32>,
        tpu.vector_store %arg9[%parallel_loop3A_336, %parallel_loop3A_337], %parallel_loop3A_332 {strides = array<i32>} : memref<8x1024xf32, #tpu.memory_space<vmem>>, vector<16xf32>,
      } {sc.loop_unroll_factor = 2 : i64, sc.parallel_access}
      %add3A_231 = arith.constant 2 : i32
      %add3A_232 = arith.addi %add3A_205, %add3A_231 : i32
      %mul3A_233 = arith.constant 4 : i32
      %mul3A_234 = arith.muli %mul3A_233, %add3A_232 : i32
      %add3A_235 = arith.addi %select_n3A_30, %mul3A_234 : i32
      %min3A_236 = arith.constant 49 : i32
      %min3A_237 = arith.minsi %add3A_235, %min3A_236 : i32
      %mul3A_238 = arith.constant 1024 : i32
      %mul3A_239 = arith.muli %min3A_237, %mul3A_238 : i32
      %dma_start3A_240 = tpu.memref_slice %arg2[%mul3A_239] : memref<51200xi32, #tpu.memory_space<hbm>> -> memref<1024xi32, #tpu.memory_space<hbm>>
      %dma_start3A_241 = tpu.memref_slice %arg2[%mul3A_239] : memref<51200xi32, #tpu.memory_space<hbm>> -> memref<1024xi32, #tpu.memory_space<hbm>>
      tpu.enqueue_dma source(%dma_start3A_241 : memref<1024xi32, #tpu.memory_space<hbm>>) target(%arg7 : memref<1024xi32, #tpu.memory_space<vmem>>) target_semaphore(%arg12 : memref<!tpu.dma_semaphore, #tpu.memory_space<semaphore_mem>>)
      %mul3A_242 = arith.constant 4 : i32
      %mul3A_243 = arith.muli %mul3A_242, %add3A_205 : i32
      %add3A_244 = arith.addi %select_n3A_30, %mul3A_243 : i32
      %min3A_245 = arith.constant 49 : i32
      %min3A_246 = arith.minsi %add3A_244, %min3A_245 : i32
      %dma_start3A_247 = arith.constant 0 : i32
      %dma_start3A_248 = tpu.memref_slice %arg4[%min3A_246, %multiple_of3A, %dma_start3A_247] : memref<50x64x1024xf32, #tpu.memory_space<hbm>> -> memref<1x8x1024xf32, #tpu.memory_space<hbm>>
      %dma_start3A_249 = tpu.memref_squeeze %dma_start3A_248 : memref<1x8x1024xf32, #tpu.memory_space<hbm>> -> memref<8x1024xf32, #tpu.memory_space<hbm>>
      %dma_start3A_250 = arith.constant 0 : i32
      %dma_start3A_251 = tpu.memref_slice %arg4[%min3A_246, %multiple_of3A, %dma_start3A_250] : memref<50x64x1024xf32, #tpu.memory_space<hbm>> -> memref<1x8x1024xf32, #tpu.memory_space<hbm>>
      %dma_start3A_252 = tpu.memref_squeeze %dma_start3A_251 : memref<1x8x1024xf32, #tpu.memory_space<hbm>> -> memref<8x1024xf32, #tpu.memory_space<hbm>>
      tpu.enqueue_dma source(%arg9 : memref<8x1024xf32, #tpu.memory_space<vmem>>) target(%dma_start3A_252 : memref<8x1024xf32, #tpu.memory_space<hbm>>) target_semaphore(%arg14 : memref<!tpu.dma_semaphore, #tpu.memory_space<semaphore_mem>>)
      %scan3A_253 = arith.constant 0 : i32
      scf.yield %scan3A_253 : i32
    }
    %scan3A_114 = arith.constant 6 : i32
    %add3A_115 = arith.constant 56 : i32
    %add3A_116 = arith.addi %select_n3A_30, %add3A_115 : i32
    %min3A_117 = arith.constant 49 : i32
    %min3A_118 = arith.minsi %add3A_116, %min3A_117 : i32
    %mul3A_119 = arith.constant 1024 : i32
    %mul3A_120 = arith.muli %min3A_118, %mul3A_119 : i32
    %dma_wait3A_121 = tpu.memref_slice %arg2[%mul3A_120] : memref<51200xi32, #tpu.memory_space<hbm>> -> memref<1024xi32, #tpu.memory_space<hbm>>
    %dma_wait3A_122 = tpu.memref_slice %arg2[%mul3A_120] : memref<51200xi32, #tpu.memory_space<hbm>> -> memref<1024xi32, #tpu.memory_space<hbm>>
    tpu.wait_dma2 semaphore(%arg11 : memref<!tpu.dma_semaphore, #tpu.memory_space<semaphore_mem>>) src(%dma_wait3A_122 : memref<1024xi32, #tpu.memory_space<hbm>>) dst(%arg6 : memref<1024xi32, #tpu.memory_space<vmem>>)
    %add3A_123 = arith.constant 48 : i32
    %add3A_124 = arith.addi %select_n3A_30, %add3A_123 : i32
    %min3A_125 = arith.constant 49 : i32
    %min3A_126 = arith.minsi %add3A_124, %min3A_125 : i32
    %dma_wait3A_127 = arith.constant 0 : i32
    %dma_wait3A_128 = tpu.memref_slice %arg4[%min3A_126, %multiple_of3A, %dma_wait3A_127] : memref<50x64x1024xf32, #tpu.memory_space<hbm>> -> memref<1x8x1024xf32, #tpu.memory_space<hbm>>
    %dma_wait3A_129 = tpu.memref_squeeze %dma_wait3A_128 : memref<1x8x1024xf32, #tpu.memory_space<hbm>> -> memref<8x1024xf32, #tpu.memory_space<hbm>>
    %dma_wait3A_130 = arith.constant 0 : i32
    %dma_wait3A_131 = tpu.memref_slice %arg4[%min3A_126, %multiple_of3A, %dma_wait3A_130] : memref<50x64x1024xf32, #tpu.memory_space<hbm>> -> memref<1x8x1024xf32, #tpu.memory_space<hbm>>
    %dma_wait3A_132 = tpu.memref_squeeze %dma_wait3A_131 : memref<1x8x1024xf32, #tpu.memory_space<hbm>> -> memref<8x1024xf32, #tpu.memory_space<hbm>>
    tpu.wait_dma2 semaphore(%arg13 : memref<!tpu.dma_semaphore, #tpu.memory_space<semaphore_mem>>) src(%arg8 : memref<8x1024xf32, #tpu.memory_space<vmem>>) dst(%dma_wait3A_132 : memref<8x1024xf32, #tpu.memory_space<hbm>>)
    %add3A_133 = arith.constant 60 : i32
    %add3A_134 = arith.addi %select_n3A_30, %add3A_133 : i32
    %min3A_135 = arith.constant 49 : i32
    %min3A_136 = arith.minsi %add3A_134, %min3A_135 : i32
    %mul3A_137 = arith.constant 1024 : i32
    %mul3A_138 = arith.muli %min3A_136, %mul3A_137 : i32
    %dma_wait3A_139 = tpu.memref_slice %arg2[%mul3A_138] : memref<51200xi32, #tpu.memory_space<hbm>> -> memref<1024xi32, #tpu.memory_space<hbm>>
    %dma_wait3A_140 = tpu.memref_slice %arg2[%mul3A_138] : memref<51200xi32, #tpu.memory_space<hbm>> -> memref<1024xi32, #tpu.memory_space<hbm>>
    tpu.wait_dma2 semaphore(%arg12 : memref<!tpu.dma_semaphore, #tpu.memory_space<semaphore_mem>>) src(%dma_wait3A_140 : memref<1024xi32, #tpu.memory_space<hbm>>) dst(%arg7 : memref<1024xi32, #tpu.memory_space<vmem>>)
    %add3A_141 = arith.constant 52 : i32
    %add3A_142 = arith.addi %select_n3A_30, %add3A_141 : i32
    %min3A_143 = arith.constant 49 : i32
    %min3A_144 = arith.minsi %add3A_142, %min3A_143 : i32
    %dma_wait3A_145 = arith.constant 0 : i32
    %dma_wait3A_146 = tpu.memref_slice %arg4[%min3A_144, %multiple_of3A, %dma_wait3A_145] : memref<50x64x1024xf32, #tpu.memory_space<hbm>> -> memref<1x8x1024xf32, #tpu.memory_space<hbm>>
    %dma_wait3A_147 = tpu.memref_squeeze %dma_wait3A_146 : memref<1x8x1024xf32, #tpu.memory_space<hbm>> -> memref<8x1024xf32, #tpu.memory_space<hbm>>
    %dma_wait3A_148 = arith.constant 0 : i32
    %dma_wait3A_149 = tpu.memref_slice %arg4[%min3A_144, %multiple_of3A, %dma_wait3A_148] : memref<50x64x1024xf32, #tpu.memory_space<hbm>> -> memref<1x8x1024xf32, #tpu.memory_space<hbm>>
    %dma_wait3A_150 = tpu.memref_squeeze %dma_wait3A_149 : memref<1x8x1024xf32, #tpu.memory_space<hbm>> -> memref<8x1024xf32, #tpu.memory_space<hbm>>
    tpu.wait_dma2 semaphore(%arg14 : memref<!tpu.dma_semaphore, #tpu.memory_space<semaphore_mem>>) src(%arg9 : memref<8x1024xf32, #tpu.memory_space<vmem>>) dst(%dma_wait3A_150 : memref<8x1024xf32, #tpu.memory_space<hbm>>)
    return
  }
}

</mosaic_0001>

<sc_bundles>
// kernel: _gather_rows.3.cloned.1.call-start
scs
__scs_entry_jumppad:
0x0: {  	(pc) =	sbr.rel $0x88, $3  }
0x1: {  	(tag) =	ssettag $0x0;
	lr =	simm.s32 $0x1  }
0x2: {  	[smem:$0x3F9F] =	sst lr;
	_ =	strace $0xD0000000  }
0x3: {  	_ = 	snop  }
0x4: {  	_ = 	snop  }
0x5: {  	_ = 	snop  }
0x6: {  	_ = 	snop  }
0x7: {  	_ = 	snop  }
__scs_overlays_trampoline_lowered:
0x8: {  	[smem:$0x3FAE] =	sst s0  }
0x9: {  	[smem:$0x3FAF] =	sst s1  }
0xa: {  	[smem:$0x3FB0] =	sst s2  }
0xb: {  	[smem:$0x3FB1] =	sst s3  }
0xc: {  	[smem:$0x3FB2] =	sst s4  }
0xd: {  	[smem:$0x3FB3] =	sst s5  }
0xe: {  	[smem:$0x3FB4] =	sst s6  }
0xf: {  	[smem:$0x3FB5] =	sst s7  }
0x10: {  	[smem:$0x3FB6] =	sst s8  }
0x11: {  	[smem:$0x3FB7] =	sst s9;
	s0 =	simm.s32 @!p0 $0x0  }
0x12: {  	s1 =	sld [smem:$0x3F9D];
	s0 =	simm.s32 @p0 $0x1  }
0x13: {  	[smem:$0x3FB8] =	sst s0;
	s0 =	simm.s32 @!p1 $0x0  }
0x14: {  	s2 =	sld [smem:$0x3F9C];
	s0 =	simm.s32 @p1 $0x1  }
0x15: {  	[smem:$0x3FB9] =	sst s0;
	s0 =	simm.s32 @!p2 $0x0  }
0x16: {  	s3 =	sld [smem:$0x3FDB];
	s0 =	simm.s32 @p2 $0x1  }
0x17: {  	s4 =	simm.s32 $0x1BF5;
	[smem:$0x3FBB] =	sst s0  }
0x18: {  	s0 =	sld [smem:$0x3F9E];
	_ =	swait.ge [sflag:s4], $0x0  }
0x19: {  	s7 =	sld [smem:$0x3F9F]  }
0x1a: {  	s8 =	sadd.s32 $0xFFFFE003, lr  }
0x1b: {  	s9 =	sadd.s32 $0xFFFFFEF7, lr;
	s5 =	simm.s32 $0xFFFFFFFF;
	p2 =	slt.u32 s8, $0xFFFFF086  }
0x1c: {  	p1 =	slt.u32 s9, $0xF7A;
	s5 =	simm.s32 @!p2 $0x0  }
0x1d: {  	s5 =	simm.s32 @p1 $0x1;
	p0 =	seq.s32 s7, s2  }
0x1e: {  	s7 =	smul.u32 @!p0 $0xF7A, s2;
	p2 =	seq.s32 @!p0 s5, $0x0  }
0x1f: {  	s9 =	smul.u32 $0xF7A, s1;
	s8 =	simm.s32 @!p0 $0x1BF5;
	p2 =	por !p2, p0  }
0x20: {  	[sflag:s8] =	ssyncset.s32 @!p0 $0xFFFFF086;
	s6 =	sadd.s32 @!p0 s3, s7;
	s7 =	simm.s32 @!p0 $0x108  }
0x21: {  	s3 =	sadd.s32 s3, s9;
	s6 =	sadd.s32 @!p0 $0x88, s6;
	s7 =	simm.s32 @p2 $0x1082  }
0x22: {  	[simem:s7], [sflag:s8] =	dma.local @!p0 [hbm:s6], $0xF7A  }
0x23: {  	s9 =	sor.u32 $0xD0000000, s2;
	s6 =	simm.s32 $0x108;
	_ =	swait.ge @!p0 [sflag:s8], $0x0  }
0x24: {  	s3 =	sadd.s32 $0x88, s3;
	s6 =	simm.s32 @!p1 $0x1082;
	[sflag:s4] =	ssyncset.s32 $0xFFFFF086  }
0x25: {  	[simem:s6], [sflag:s4] =	dma.local [hbm:s3], $0xF7A  }
0x26: {  	[smem:$0x3F9F] =	sst s1;
	(tag) =	ssettag s2;
	_ =	strace s9  }
0x27: {  	s1 =	sld [smem:$0x3FAF]  }
0x28: {  	s2 =	sld [smem:$0x3FB0]  }
0x29: {  	s4 =	sld [smem:$0x3FB2]  }
0x2a: {  	p0 =	seq.s32 s5, $0x0;
	s5 =	sld [smem:$0x3FB3]  }
0x2b: {  	s6 =	sld [smem:$0x3FB4]  }
0x2c: {  	s7 =	sld [smem:$0x3FB5]  }
0x2d: {  	s3 =	simm.s32 $0x108;
	s8 =	sld [smem:$0x3FB6]  }
0x2e: {  	s3 =	simm.s32 @!p0 $0x1082;
	s9 =	sld [smem:$0x3FB7]  }
0x2f: {  	lr =	sadd.s32 s0, s3;
	s0 =	sld [smem:$0x3FAE]  }
0x30: {  	s3 =	sld [smem:$0x3FB1]  }
0x31: {  	[smem:$0x3FBA] =	sst s10  }
0x32: {  	s10 =	sld [smem:$0x3FB8];
	_ =	sdelay $0x3  }
0x33: {  	p0 =	seq.s32 s10, $0x1;
	s10 =	sld [smem:$0x3FBA];
	_ =	sdelay $0x3  }
0x34: {  	[smem:$0x3FBA] =	sst s10  }
0x35: {  	s10 =	sld [smem:$0x3FB9];
	_ =	sdelay $0x3  }
0x36: {  	p1 =	seq.s32 s10, $0x1;
	s10 =	sld [smem:$0x3FBA];
	_ =	sdelay $0x3  }
0x37: {  	[smem:$0x3FBA] =	sst s10  }
0x38: {  	s10 =	sld [smem:$0x3FBB]  }
0x39: {  	_ = 	snop;
	(pc) =	sbr.ind lr, $3  }
0x3a: {  	_ = 	snop  }
0x3b: {  	_ = 	snop  }
0x3c: {  	p2 =	seq.s32 s10, $0x1;
	s10 =	sld [smem:$0x3FBA]  }
0x3d: {  	_ =	shalt  }
0x3e: {  	_ =	shalt  }
0x3f: {  	_ =	shalt  }
0x40: {  	_ =	shalt  }
0x41: {  	_ =	shalt  }
0x42: {  	_ =	shalt  }
0x43: {  	_ =	shalt  }
0x44: {  	_ =	shalt  }
0x45: {  	_ =	shalt  }
0x46: {  	_ =	shalt  }
0x47: {  	_ =	shalt  }
0x48: {  	_ =	shalt  }
0x49: {  	_ =	shalt  }
0x4a: {  	_ =	shalt  }
0x4b: {  	_ =	shalt  }
0x4c: {  	_ =	shalt  }
0x4d: {  	_ =	shalt  }
0x4e: {  	_ =	shalt  }
0x4f: {  	_ =	shalt  }
0x50: {  	_ =	shalt  }
0x51: {  	_ =	shalt  }
0x52: {  	_ =	shalt  }
0x53: {  	_ =	shalt  }
0x54: {  	_ =	shalt  }
0x55: {  	_ =	shalt  }
0x56: {  	_ =	shalt  }
0x57: {  	_ =	shalt  }
0x58: {  	_ =	shalt  }
0x59: {  	_ =	shalt  }
0x5a: {  	_ =	shalt  }
0x5b: {  	_ =	shalt  }
0x5c: {  	_ =	shalt  }
0x5d: {  	_ =	shalt  }
0x5e: {  	_ =	shalt  }
0x5f: {  	_ =	shalt  }
0x60: {  	_ =	shalt  }
0x61: {  	_ =	shalt  }
0x62: {  	_ =	shalt  }
0x63: {  	_ =	shalt  }
0x64: {  	_ =	shalt  }
0x65: {  	_ =	shalt  }
0x66: {  	_ =	shalt  }
0x67: {  	_ =	shalt  }
0x68: {  	_ =	shalt  }
0x69: {  	_ =	shalt  }
0x6a: {  	_ =	shalt  }
0x6b: {  	_ =	shalt  }
0x6c: {  	_ =	shalt  }
0x6d: {  	_ =	shalt  }
0x6e: {  	_ =	shalt  }
0x6f: {  	_ =	shalt  }
0x70: {  	_ =	shalt  }
0x71: {  	_ =	shalt  }
0x72: {  	_ =	shalt  }
0x73: {  	_ =	shalt  }
0x74: {  	_ =	shalt  }
0x75: {  	_ =	shalt  }
0x76: {  	_ =	shalt  }
0x77: {  	_ =	shalt  }
0x78: {  	_ =	shalt  }
0x79: {  	_ =	shalt  }
0x7a: {  	_ =	shalt  }
0x7b: {  	_ =	shalt  }
0x7c: {  	_ =	shalt  }
0x7d: {  	_ =	shalt  }
0x7e: {  	_ =	shalt  }
0x7f: {  	_ =	shalt  }
0x80: {  	_ =	shalt  }
0x81: {  	_ =	shalt  }
0x82: {  	_ =	shalt  }
0x83: {  	_ =	shalt  }
0x84: {  	_ =	shalt  }
0x85: {  	_ =	shalt  }
0x86: {  	_ =	shalt  }
0x87: {  	_ =	shalt  }
.Lfunc_end0:
.L_simem_size_0:
called_computation_lowered:
.L_overlay_start_0:
0x88: {  	s2 =	sld [smem:$0x3FD9]  }
0x89: {  	s3 =	sld [smem:$0x3FFE];
	_ =	sdelay $0x1  }
0x8a: {  	s1 =	srdreg.scid  }
0x8b: {  	s0 =	sand.u32 $0x1, s1  }
0x8c: {  	s18 =	sshll.u32 s0, $0xA;
	s2 =	sadd.s32 s3, s2  }
0x8d: {  	s2 =	sadd.s32 s2, s18  }
0x8e: {  	[smem:$0x3FC6] =	sst s2  }
0x8f: {  	_ = 	snop  }
0x90: {  	s2 =	sld [smem:$0x3FC9]  }
0x91: {  	s19 =	sld [smem:$0x3FC8]  }
0x92: {  	s4 =	sld [smem:$0x3FD0];
	(tm) =	ssettm $0x1  }
0x93: {  	s5 =	sld [smem:$0x3FFB];
	_ =	sdelay $0x3  }
0x94: {  	_ =	strace s5  }
0x95: {  	s5 =	sld [smem:$0x3FFC];
	_ =	sdelay $0x3  }
0x96: {  	_ =	strace s5  }
0x97: {  	s5 =	sld [smem:$0x3FFD];
	_ =	sdelay $0x3  }
0x98: {  	_ =	strace s5  }
0x99: {  	_ =	strace $0x8FFFFFFF  }
0x9a: {  	s20 =	sld [smem:$0x3FDB];
	_ =	sdelay $0x1  }
0x9b: {  	s6 =	simm.s32 $_scs_section_size  }
0x9c: {  	s7 =	simm.s32 $_size__tile_overlayer_lowered;
	s8 =	simm.s32 $_tile_overlayer_lowered  }
0x9d: {  	s23 =	simm.s32 $0x1BFF;
	s22 =	sshll.u32 s8, $0x1;
	s5 =	sadd.s32 s6, s20  }
0x9e: {  	s9 =	simm.s32 $0x0;
	s21 =	sshll.u32 s7, $0x1;
	s7 =	sadd.s32 s22, s5  }
0x9f: {  	[timem:s9], [sflag:s23] =	dma.local [hbm:s7], s21  }
0xa0: {  	_ =	swait.ge [sflag:s23], s21  }
0xa1: {  	s6 =	ssub.s32 $0x0, s21;
	[sflag:s23] =	ssyncset.done $0x0  }
0xa2: {  	[sflag:s23] =	ssyncadd.s32 s6;
	_ =	sdelay $0x1  }
0xa3: {  	s24 =	simm.s32 $0x1B8B  }
0xa4: {  	_ =	swait.ge [sflag:s24], $0x1  }
0xa5: {  	[sflag:s24] =	ssyncset.done $0x0  }
0xa6: {  	s25 =	simm.s32 $0x1B8E;
	[sflag:s24] =	ssyncadd.s32 $0xFFFFFFFF  }
0xa7: {  	s26 =	simm.s32 $execute0_lowered;
	[smem:$0x3FD2] =	sst s25  }
0xa8: {  	s6 =	sshll.u32 s26, $0x1;
	_ =	strace $0x80000046;
	[dreg:$0x1] =	wrdreg $0xFFFFFFFF  }
0xa9: {  	s28 =	simm.s32 $_size_execute0_lowered;
	s5 =	sadd.s32 s5, s6;
	[dreg:$0x0] =	wrdreg $0x0  }
0xaa: {  	s6 =	sshll.u32 s28, $0x1;
	[dreg:$0x2] =	wrdreg s5  }
0xab: {  	[dreg:$0x3] =	wrdreg s6  }
0xac: {  	[dreg:$0x4] =	wrdreg $0xC0  }
0xad: {  	_ =	task [dreg:s9], $0x5FFFF  }
0xae: {  	[dreg:$0x1] =	wrdreg $0xFFFFFFFF  }
0xaf: {  	[dreg:$0x0] =	wrdreg $0x60  }
0xb0: {  	[dreg:$0x2] =	wrdreg s2  }
0xb1: {  	[dreg:$0x3] =	wrdreg s19  }
0xb2: {  	[dreg:$0x4] =	wrdreg s4  }
0xb3: {  	[dreg:$0x5] =	wrdreg $0x9  }
0xb4: {  	_ =	task.clear_ibuf [dreg:s9], $0x6FFFF;
	_ =	strace $0x90000046  }
0xb5: {  	s29 =	simm.s32 $0x9;
	_ =	strace $0x80000048  }
0xb6: {  	_ =	swait.ge [sflag:s29], $0x1  }
0xb7: {  	[sflag:s29] =	ssyncadd.s32 $0xFFFFFFFF  }
0xb8: {  	_ =	strace $0x90000048  }
0xb9: {  	_ =	sfence  }
0xba: {  	s30 =	sld [smem:$0x0];
	_ =	sdelay $0x2  }
0xbb: {  	s31 =	sshll.u32 s1, $0xD;
	s1 =	sshrl.u32 s1, $0x2  }
0xbc: {  	s3 =	sand.u32 $0x4000, s31;
	s1 =	sadd.s32 s1, s30  }
0xbd: {  	s0 =	sor.u32 s3, s0;
	s1 =	sshll.u32 s1, $0x11  }
0xbe: {  	s0 =	sor.u32 s1, s0  }
0xbf: {  	s0 =	sadd.s32 $0x8F2B, s0  }
0xc0: {  	[sflag:s0] =	ssyncadd.remote.s32 $0x1  }
0xc1: {  	_ =	sfence.sel $0xFFFF  }
0xc2: {  	[dreg:$0x0] =	wrdreg $0xFFFFFFFF;
	(pc) =	sbr.abs _section_cstart, $3  }
0xc3: {  	[dreg:$0x1] =	wrdreg $0xFFFFFFFF  }
0xc4: {  	_ =	task.clear_ibuf [dreg:s9], $0x2FFFF;
	_ =	strace $0x9FFFFFFF  }
0xc5: {  	(tm) =	ssettm $0x7FFFFFFF  }
tec
execute0_lowered:
.L_overlay_start_1:
0x0: {  	(tag) =	ssettag $0x1  }
0x1: {  	s14 =	rddreg [dreg:$0x0]  }
0x2: {  	s0 =	rddreg [dreg:$0x1];
	s3 =	stileid.u32  }
0x3: {  	s8 =	rddreg [dreg:$0x2];
	s1 =	srdreg.scid  }
0x4: {  	s4 =	simm.s32 $0x0;
	s19 =	simm.s32 $0x2;
	s2 =	sshll.u32 s3, $0x1  }
0x5: {  	s1 =	sand.u32 $0x1, s1;
	[smem:$0x7FF] =	sst s4;
	s3 =	sshrl.u32 s3, $0x2  }
0x6: {  	s2 =	sand.u32 $0x6, s2;
	s5 =	ssub.s32 $0x2, s1;
	_ =	strace $0x80000047  }
0x7: {  	s21 =	sshll.u32 s3, $0x7;
	s23 =	sor.u32 $0x4, s3;
	s24 =	sshll.u32 s3, $0x10  }
0x8: {  	s29 =	sor.u32 $0x8, s3;
	[dreg:$0x4] =	wrdreg s3;
	s30 =	sor.u32 $0xC, s3  }
0x9: {  	s1 =	sor.u32 s1, s2;
	s20 =	sshrl.u32 s5, $0x1;
	[dreg:$0xc] =	wrdreg s29  }
0xa: {  	s22 =	sadd.s32 s14, s21;
	s25 =	sshll.u32 s23, $0x7;
	[dreg:$0xd] =	wrdreg s30  }
0xb: {  	s7 =	smul.u32 $0x3E8, s1;
	s2 =	ssub.s32 s5, s20;
	s6 =	sshll.u32 s1, $0xD  }
0xc: {  	s26 =	sadd.s32 $0x400, s22;
	[dreg:$0x6] =	wrdreg s22;
	s28 =	sadd.s32 $0x600, s22  }
0xd: {  	s22 =	simm.s32 $0x3;
	s1 =	sor.u32 s24, s6;
	[dreg:$0x8] =	wrdreg s26  }
0xe: {  	[dreg:$0xa] =	wrdreg s28;
	s31 =	smax.u32 s2, $0x1;
	s0 =	sadd.s32 s0, s7  }
0xf: {  	s7 =	sadd.s32 s14, s25;
	[dreg:$0x5] =	wrdreg s0;
	s0 =	sshll.u32 s23, $0x10  }
0x10: {  	s1 =	sshrl.u32 s1, $0x3;
	[dreg:$0xe] =	wrdreg s31;
	s0 =	sor.u32 s0, s6  }
0x11: {  	[dreg:$0x7] =	wrdreg s7;
	s1 =	sadd.s32 s8, s1;
	s0 =	sshrl.u32 s0, $0x3  }
0x12: {  	s24 =	simm.s32 $0x4;
	[dreg:$0x9] =	wrdreg s1;
	s0 =	sadd.s32 s8, s0  }
0x13: {  	s25 =	simm.s32 $0x5;
	s1 =	simm.s32 $0x0;
	[dreg:$0xb] =	wrdreg s0  }
.LBB2_1:
0x14: {  	[dreg:$0xf] =	wrdreg s1  }
0x15: {  	s0 =	rddreg [dreg:$0x5]  }
0x16: {  	[tilespmem:s4], [sflag:$0x1] =	stream.linear.gather [hbm4b:s0+s4], $0x1F40, $0x38;
	[tilespmem:$0x6780] =	vst v63  }
0x17: {  	s5 =	rddreg [dreg:$0x6];
	s3 =	simm.s32 $0x1F80  }
0x18: {  	[tilespmem:s3], [sflag:$0x2] =	stream.linear.gather [hbm4b:s5+s4], $0x400, $0x38;
	[tilespmem:$0x6780] =	vst v63  }
0x19: {  	s7 =	rddreg [dreg:$0x7];
	s8 =	simm.s32 $0x2380;
	s9 =	simm.s32 $0x1  }
0x1a: {  	[tilespmem:s8], [sflag:$0x3] =	stream.linear.gather [hbm4b:s7+s4], $0x400, $0x38;
	[tilespmem:$0x6780] =	vst v63  }
0x1b: {  	_ =	swait.ge [sflag:s9], $0x1F40  }
0x1c: {  	[sflag:s9] =	ssyncset.done $0x0  }
0x1d: {  	[sflag:s9] =	ssyncadd.s32 $0xFFFFE0C0  }
0x1e: {  	s10 =	sand.u32 $0x60, s4;
	_ =	swait.ge [sflag:s19], $0x400  }
0x1f: {  	s2 =	sand.u32 $0x380, s4;
	s12 =	sor.u32 $0x10, s10;
	[sflag:s19] =	ssyncset.done $0x0  }
0x20: {  	s2 =	sor.u32 s12, s2;
	[sflag:s19] =	ssyncadd.s32 $0xFFFFFC00  }
0x21: {  	v5 =	vld [tilespmem:s2+$0x1F80]  }
0x22: {  	v6 =	vld [tilespmem:s3+$0x0];
	_ =	sdelay $0x6  }
0x23: {  	v0 =	vld.idx.msk [tilespmem:v5+s4+$0x0], $0xffff  }
0x24: {  	v1 =	vld.idx.msk [tilespmem:v6+s4+$0x0], $0xffff  }
0x25: {  	s13 =	sand.u32 $0x1C00, s4;
	s11 =	simm.s32 $0x20;
	v2 =	vadd.s32 $0x3E8, v5  }
0x26: {  	s15 =	sand.u32 $0x60, s11;
	s2 =	sadd.s32 $0x2780, s13  }
0x27: {  	s17 =	sand.u32 $0x380, s11;
	s16 =	sor.u32 $0x10, s15;
	s9 =	sor.u32 s12, s2;
	v3 =	vadd.s32 $0x3E8, v6  }
0x28: {  	s12 =	sor.u32 s10, s2;
	s2 =	sor.u32 s16, s17;
	[tilespmem:s9+$0x0] =	vst v0  }
0x29: {  	[tilespmem:s12+$0x0] =	vst v1;
	v1 =	vld [tilespmem:s2+$0x1F80]  }
0x2a: {  	s7 =	simm.s32 $0x1FA0;
	v2 =	vld.idx.msk [tilespmem:v2+s4+$0x0], $0xffff  }
0x2b: {  	v4 =	vadd.s32 $0x7D0, v5;
	v0 =	vld [tilespmem:s7+$0x0]  }
0x2c: {  	v3 =	vld.idx.msk [tilespmem:v3+s4+$0x0], $0xffff  }
0x2d: {  	v7 =	vadd.s32 $0x7D0, v6;
	_ =	sdelay $0x1  }
0x2e: {  	[tilespmem:s9+$0x80] =	vst v2  }
0x2f: {  	v2 =	vld.idx.msk [tilespmem:v4+s4+$0x0], $0xffff  }
0x30: {  	[tilespmem:s12+$0x80] =	vst v3;
	v4 =	vadd.s32 $0xBB8, v5  }
0x31: {  	v3 =	vld.idx.msk [tilespmem:v7+s4+$0x0], $0xffff  }
0x32: {  	v7 =	vadd.s32 $0xBB8, v6;
	v8 =	vld.idx.msk [tilespmem:v1+s4+$0x0], $0xffff  }
0x33: {  	s28 =	simm.s32 $0x100;
	v10 =	vadd.s32 $0x3E8, v1;
	v9 =	vld.idx.msk [tilespmem:v0+s4+$0x0], $0xffff  }
0x34: {  	s18 =	sand.u32 $0x1C00, s28;
	v11 =	vadd.s32 $0x3E8, v0;
	[tilespmem:s9+$0x100] =	vst v2  }
0x35: {  	s20 =	simm.s32 $0x1FC0;
	s2 =	sadd.s32 $0x2780, s18;
	v4 =	vld.idx.msk [tilespmem:v4+s4+$0x0], $0xffff  }
0x36: {  	v12 =	vadd.s32 $0xFA0, v5;
	s10 =	sor.u32 s16, s2;
	s16 =	simm.s32 $0x40;
	[tilespmem:s12+$0x100] =	vst v3;
	v2 =	vld [tilespmem:s20+$0x0]  }
0x37: {  	s0 =	sor.u32 s15, s2;
	s13 =	sand.u32 $0x60, s16;
	v7 =	vld.idx.msk [tilespmem:v7+s4+$0x0], $0xffff;
	[tilespmem:s10+$0x0] =	vst v8  }
0x38: {  	s23 =	sand.u32 $0x380, s16;
	s21 =	sor.u32 $0x10, s13;
	v8 =	vadd.s32 $0xFA0, v6;
	[tilespmem:s0+$0x0] =	vst v9;
	v9 =	vld.idx.msk [tilespmem:v10+s4+$0x0], $0xffff  }
0x39: {  	s1 =	sor.u32 s21, s23;
	v10 =	vld.idx.msk [tilespmem:v11+s4+$0x0], $0xffff;
	v11 =	vadd.s32 $0x7D0, v1  }
0x3a: {  	v3 =	vld [tilespmem:s1+$0x1F80];
	[tilespmem:s9+$0x180] =	vst v4  }
0x3b: {  	v4 =	vadd.s32 $0x7D0, v0;
	v12 =	vld.idx.msk [tilespmem:v12+s4+$0x0], $0xffff  }
0x3c: {  	[tilespmem:s12+$0x180] =	vst v7;
	v7 =	vadd.s32 $0x1388, v5  }
0x3d: {  	v8 =	vld.idx.msk [tilespmem:v8+s4+$0x0], $0xffff;
	[tilespmem:s10+$0x80] =	vst v9  }
0x3e: {  	[tilespmem:s0+$0x80] =	vst v10;
	v10 =	vadd.s32 $0x1388, v6;
	v9 =	vld.idx.msk [tilespmem:v11+s4+$0x0], $0xffff  }
0x3f: {  	v11 =	vadd.s32 $0xBB8, v1;
	v13 =	vld.idx.msk [tilespmem:v2+s4+$0x0], $0xffff  }
0x40: {  	v4 =	vld.idx.msk [tilespmem:v4+s4+$0x0], $0xffff;
	[tilespmem:s9+$0x200] =	vst v12  }
0x41: {  	v12 =	vadd.s32 $0xBB8, v0;
	v7 =	vld.idx.msk [tilespmem:v7+s4+$0x0], $0xffff  }
0x42: {  	v14 =	vadd.s32 $0x1770, v5;
	[tilespmem:s12+$0x200] =	vst v8;
	v8 =	vld.idx.msk [tilespmem:v3+s4+$0x0], $0xffff  }
0x43: {  	s1 =	simm.s32 $0x200;
	v15 =	vadd.s32 $0x3E8, v3;
	v10 =	vld.idx.msk [tilespmem:v10+s4+$0x0], $0xffff;
	[tilespmem:s10+$0x100] =	vst v9  }
0x44: {  	s30 =	simm.s32 $0x1FE0;
	s26 =	sand.u32 $0x1C00, s1;
	v11 =	vld.idx.msk [tilespmem:v11+s4+$0x0], $0xffff  }
0x45: {  	s8 =	simm.s32 $0x60;
	s17 =	sadd.s32 $0x2780, s26;
	v9 =	vadd.s32 $0x3E8, v2;
	[tilespmem:s0+$0x100] =	vst v4;
	v4 =	vld [tilespmem:s30+$0x0]  }
0x46: {  	s18 =	sand.u32 $0x60, s8;
	v16 =	vadd.s32 $0xFA0, v1;
	s7 =	sor.u32 s21, s17;
	v12 =	vld.idx.msk [tilespmem:v12+s4+$0x0], $0xffff;
	[tilespmem:s9+$0x280] =	vst v7  }
0x47: {  	s3 =	sand.u32 $0x380, s8;
	s21 =	sor.u32 $0x10, s18;
	[tilespmem:s7+$0x0] =	vst v8;
	s9 =	sor.u32 s13, s17;
	v7 =	vadd.s32 $0xFA0, v0;
	v8 =	vld.idx.msk [tilespmem:v14+s4+$0x0], $0xffff  }
0x48: {  	s31 =	sand.u32 $0x3, s4;
	s13 =	sor.u32 s21, s3;
	[tilespmem:s9+$0x0] =	vst v13;
	v13 =	vld.idx.msk [tilespmem:v15+s4+$0x0], $0xffff;
	v14 =	vadd.s32 $0x1770, v6  }
0x49: {  	s2 =	sshll.u32 s31, $0x5;
	v15 =	vadd.s32 $0x1B58, v5;
	v5 =	vld [tilespmem:s13+$0x1F80]  }
0x4a: {  	s2 =	sadd.s32 $0x0, s2;
	[tilespmem:s10+$0x180] =	vst v11;
	v11 =	vadd.s32 $0x7D0, v3;
	v9 =	vld.idx.msk [tilespmem:v9+s4+$0x0], $0xffff  }
0x4b: {  	s5 =	sadd.s32 $0x10, s2;
	v16 =	vld.idx.msk [tilespmem:v16+s4+$0x0], $0xffff;
	[tilespmem:s0+$0x180] =	vst v12  }
0x4c: {  	[tilespmem:s12+$0x280] =	vst v10;
	s13 =	sor.u32 $0x300, s5;
	v12 =	vadd.s32 $0x7D0, v2;
	v7 =	vld.idx.msk [tilespmem:v7+s4+$0x0], $0xffff  }
0x4d: {  	v17 =	vadd.s32 $0x1388, v1;
	v14 =	vld.idx.msk [tilespmem:v14+s4+$0x0], $0xffff;
	[tilespmem:s13+$0x2780] =	vst v8  }
0x4e: {  	[tilespmem:s7+$0x80] =	vst v13;
	v10 =	vld.idx.msk [tilespmem:v4+s4+$0x0], $0xffff  }
0x4f: {  	[tilespmem:s9+$0x80] =	vst v9;
	v9 =	vld.idx.msk [tilespmem:v11+s4+$0x0], $0xffff;
	v11 =	vadd.s32 $0x1388, v0  }
0x50: {  	v6 =	vadd.s32 $0x1B58, v6;
	v15 =	vld.idx.msk [tilespmem:v15+s4+$0x0], $0xffff  }
0x51: {  	v18 =	vadd.s32 $0xBB8, v3;
	[tilespmem:s10+$0x200] =	vst v16;
	v12 =	vld.idx.msk [tilespmem:v12+s4+$0x0], $0xffff  }
0x52: {  	s11 =	sor.u32 s28, s11;
	s2 =	sor.u32 $0x300, s2;
	v16 =	vadd.s32 $0xBB8, v2;
	v8 =	vld.idx.msk [tilespmem:v17+s4+$0x0], $0xffff;
	[tilespmem:s0+$0x200] =	vst v7  }
0x53: {  	s29 =	sor.u32 $0x380, s11;
	s15 =	sor.u32 s4, s4;
	v13 =	vld.idx.msk [tilespmem:v5+s4+$0x0], $0xffff;
	[tilespmem:s2+$0x2780] =	vst v14  }
0x54: {  	s20 =	sor.u32 s1, s16;
	s30 =	sor.u32 $0x380, s5;
	s12 =	simm.s32 $0x300;
	v7 =	vld.idx.msk [tilespmem:v11+s4+$0x0], $0xffff;
	[tilespmem:s7+$0x100] =	vst v9;
	v9 =	vadd.s32 $0x1770, v1  }
0x55: {  	s11 =	sor.u32 $0x380, s20;
	s26 =	simm.s32 $0x6;
	s23 =	sand.u32 $0x1C00, s12;
	v14 =	vadd.s32 $0x3E8, v5;
	v6 =	vld.idx.msk [tilespmem:v6+s4+$0x0], $0xffff;
	[tilespmem:s30+$0x2780] =	vst v15  }
0x56: {  	s17 =	simm.s32 $0x2000;
	s31 =	sor.u32 s12, s8;
	s20 =	sadd.s32 $0x2780, s23;
	v15 =	vadd.s32 $0x3E8, v4;
	v11 =	vld.idx.msk [tilespmem:v18+s4+$0x0], $0xffff;
	[tilespmem:s9+$0x100] =	vst v12  }
0x57: {  	s16 =	sor.u32 $0x380, s31;
	s23 =	simm.s32 $0x0;
	s13 =	sor.u32 $0x380, s15;
	v12 =	vld.idx.msk [tilespmem:v16+s4+$0x0], $0xffff  }
.LBB2_2:
0x58: {  	v16 =	vld [tilespmem:s17+$0x0];
	s2 =	sor.u32 s21, s20;
	s8 =	sadd.s32 $0x20, s8;
	v17 =	vadd.s32 $0xFA0, v3;
	[tilespmem:s10+$0x280] =	vst v8;
	s23 =	sadd.s32 $0x1, s23  }
0x59: {  	s20 =	sor.u32 s18, s20;
	v8 =	vadd.s32 $0xFA0, v2;
	s18 =	sand.u32 $0x60, s8;
	[tilespmem:s2+$0x0] =	vst v13;
	s10 =	sand.u32 $0x3, s23;
	v9 =	vld.idx.msk [tilespmem:v9+s4+$0x0], $0xffff  }
0x5a: {  	s26 =	sadd.s32 $0x2, s26;
	s30 =	sand.u32 $0x380, s8;
	v13 =	vadd.s32 $0x1770, v0;
	s21 =	sor.u32 $0x10, s18;
	[tilespmem:s20+$0x0] =	vst v10;
	v10 =	vld.idx.msk [tilespmem:v14+s4+$0x0], $0xffff  }
0x5b: {  	p0 =	slt.u32 s26, $0x3E;
	s10 =	sshll.u32 s10, $0x5;
	s30 =	sor.u32 s21, s30;
	v14 =	vld.idx.msk [tilespmem:v15+s4+$0x0], $0xffff;
	[tilespmem:s0+$0x280] =	vst v7;
	v7 =	vadd.s32 $0x1B58, v1;
	v1 =	vmov v3;
	v3 =	vmov v5  }
0x5c: {  	s0 =	sadd.s32 s10, s28;
	s10 =	smov.u32 s7;
	v5 =	vld [tilespmem:s30+$0x1F80];
	v15 =	vadd.s32 $0x7D0, v3;
	[tilespmem:s7+$0x180] =	vst v11;
	s7 =	smov.u32 s2  }
0x5d: {  	v11 =	vadd.s32 $0x7D0, v4;
	s2 =	sor.u32 $0x300, s0;
	s30 =	sadd.s32 $0x10, s0;
	s0 =	smov.u32 s9;
	[tilespmem:s9+$0x180] =	vst v12;
	v12 =	vld.idx.msk [tilespmem:v17+s4+$0x0], $0xffff  }
0x5e: {  	s28 =	smov.u32 s1;
	s31 =	sor.u32 $0x300, s30;
	s9 =	smov.u32 s20;
	v8 =	vld.idx.msk [tilespmem:v8+s4+$0x0], $0xffff;
	[tilespmem:s13+$0x2780] =	vst v6  }
0x5f: {  	s1 =	smov.u32 s12;
	v6 =	vadd.s32 $0x1388, v1;
	s13 =	smov.u32 s29;
	s29 =	smov.u32 s11;
	v17 =	vld.idx.msk [tilespmem:v13+s4+$0x0], $0xffff;
	[tilespmem:s31+$0x2780] =	vst v9  }
0x60: {  	s11 =	smov.u32 s16;
	[tilespmem:s7+$0x80] =	vst v10;
	v18 =	vld.idx.msk [tilespmem:v7+s4+$0x0], $0xffff  }
0x61: {  	v7 =	vadd.s32 $0x1388, v2;
	[tilespmem:s9+$0x80] =	vst v14;
	v15 =	vld.idx.msk [tilespmem:v15+s4+$0x0], $0xffff  }
0x62: {  	v19 =	vadd.s32 $0x1B58, v0;
	v0 =	vmovc v2;
	v2 =	vmov v4;
	v4 =	vmov v16;
	v11 =	vld.idx.msk [tilespmem:v11+s4+$0x0], $0xffff  }
0x63: {  	v10 =	vld.idx.msk [tilespmem:v16+s4+$0x0], $0xffff;
	v16 =	vadd.s32 $0xBB8, v3;
	[tilespmem:s10+$0x200] =	vst v12  }
0x64: {  	v12 =	vadd.s32 $0xBB8, v2;
	[tilespmem:s0+$0x200] =	vst v8;
	v8 =	vld.idx.msk [tilespmem:v6+s4+$0x0], $0xffff  }
.Ltmp0:
0x65: {  	v13 =	vld.idx.msk [tilespmem:v5+s4+$0x0], $0xffff;
	[tilespmem:s2+$0x2780] =	vst v17;
	s2 =	sor.u32 $0x380, s30;
	(pc) =	sbr.rel @p0 .LBB2_2-.Ltmp0, $4  }
0x66: {  	v9 =	vadd.s32 $0x1770, v1;
	v7 =	vld.idx.msk [tilespmem:v7+s4+$0x0], $0xffff;
	[tilespmem:s2+$0x2780] =	vst v18  }
0x67: {  	s12 =	sadd.s32 $0x100, s12;
	v14 =	vadd.s32 $0x3E8, v5;
	[tilespmem:s7+$0x100] =	vst v15;
	v6 =	vld.idx.msk [tilespmem:v19+s4+$0x0], $0xffff  }
0x68: {  	s16 =	sor.u32 s12, s8;
	s2 =	sand.u32 $0x1C00, s12;
	v15 =	vadd.s32 $0x3E8, v4;
	[tilespmem:s9+$0x100] =	vst v11;
	v11 =	vld.idx.msk [tilespmem:v16+s4+$0x0], $0xffff  }
0x69: {  	s17 =	sadd.s32 $0x20, s17;
	s16 =	sor.u32 $0x380, s16;
	s20 =	sadd.s32 $0x2780, s2;
	v12 =	vld.idx.msk [tilespmem:v12+s4+$0x0], $0xffff  }
0x6a: {  	_ =	sdelay $0x1  }
0x6b: {  	s17 =	sor.u32 s21, s20  }
0x6c: {  	s8 =	sor.u32 s18, s20;
	[tilespmem:s17+$0x0] =	vst v13  }
0x6d: {  	[tilespmem:s8+$0x0] =	vst v10;
	v10 =	vld.idx.msk [tilespmem:v14+s4+$0x0], $0xffff  }
0x6e: {  	v13 =	vld.idx.msk [tilespmem:v15+s4+$0x0], $0xffff;
	v14 =	vadd.s32 $0x7D0, v5  }
0x6f: {  	v15 =	vadd.s32 $0x7D0, v4;
	_ =	sdelay $0x2  }
0x70: {  	[tilespmem:s17+$0x80] =	vst v10  }
0x71: {  	[tilespmem:s8+$0x80] =	vst v13;
	v10 =	vld.idx.msk [tilespmem:v14+s4+$0x0], $0xffff  }
0x72: {  	v13 =	vld.idx.msk [tilespmem:v15+s4+$0x0], $0xffff;
	v14 =	vadd.s32 $0xBB8, v5  }
0x73: {  	v15 =	vadd.s32 $0xBB8, v4;
	_ =	sdelay $0x2  }
0x74: {  	v16 =	vadd.s32 $0xFA0, v3;
	[tilespmem:s17+$0x100] =	vst v10  }
0x75: {  	v10 =	vadd.s32 $0xFA0, v2;
	[tilespmem:s8+$0x100] =	vst v13;
	v13 =	vld.idx.msk [tilespmem:v14+s4+$0x0], $0xffff  }
0x76: {  	v14 =	vld.idx.msk [tilespmem:v15+s4+$0x0], $0xffff;
	v15 =	vadd.s32 $0xFA0, v5  }
0x77: {  	v17 =	vadd.s32 $0xFA0, v4  }
0x78: {  	[tilespmem:s7+$0x180] =	vst v11  }
0x79: {  	[tilespmem:s9+$0x180] =	vst v12;
	v11 =	vld.idx.msk [tilespmem:v16+s4+$0x0], $0xffff  }
0x7a: {  	v12 =	vadd.s32 $0x1388, v3;
	v10 =	vld.idx.msk [tilespmem:v10+s4+$0x0], $0xffff;
	[tilespmem:s17+$0x180] =	vst v13  }
0x7b: {  	v13 =	vadd.s32 $0x1388, v2;
	[tilespmem:s8+$0x180] =	vst v14;
	v14 =	vld.idx.msk [tilespmem:v15+s4+$0x0], $0xffff  }
0x7c: {  	v16 =	vadd.s32 $0x1388, v5;
	v15 =	vld.idx.msk [tilespmem:v17+s4+$0x0], $0xffff  }
0x7d: {  	[tilespmem:s10+$0x280] =	vst v8;
	v8 =	vadd.s32 $0x1388, v4  }
0x7e: {  	[tilespmem:s7+$0x200] =	vst v11  }
0x7f: {  	v11 =	vadd.s32 $0x1770, v0;
	[tilespmem:s9+$0x200] =	vst v10;
	v10 =	vld.idx.msk [tilespmem:v12+s4+$0x0], $0xffff  }
0x80: {  	v12 =	vld.idx.msk [tilespmem:v13+s4+$0x0], $0xffff;
	v13 =	vadd.s32 $0x1770, v3;
	[tilespmem:s17+$0x200] =	vst v14  }
0x81: {  	v14 =	vadd.s32 $0x1770, v2;
	[tilespmem:s8+$0x200] =	vst v15;
	v15 =	vld.idx.msk [tilespmem:v16+s4+$0x0], $0xffff  }
0x82: {  	s2 =	sadd.s32 $0x1, s23;
	[tilespmem:s0+$0x280] =	vst v7;
	v7 =	vld.idx.msk [tilespmem:v8+s4+$0x0], $0xffff;
	v8 =	vadd.s32 $0x1770, v5  }
0x83: {  	s30 =	sand.u32 $0x3, s2;
	v9 =	vld.idx.msk [tilespmem:v9+s4+$0x0], $0xffff;
	[tilespmem:s13+$0x2780] =	vst v6;
	v6 =	vadd.s32 $0x1770, v4  }
0x84: {  	v1 =	vadd.s32 $0x1B58, v1;
	s2 =	sadd.s32 $0x1, s2;
	s0 =	sshll.u32 s30, $0x5;
	v11 =	vld.idx.msk [tilespmem:v11+s4+$0x0], $0xffff;
	[tilespmem:s7+$0x280] =	vst v10  }
0x85: {  	s31 =	sand.u32 $0x3, s2;
	s0 =	sadd.s32 s0, s28;
	v0 =	vadd.s32 $0x1B58, v0;
	v10 =	vld.idx.msk [tilespmem:v13+s4+$0x0], $0xffff;
	[tilespmem:s9+$0x280] =	vst v12  }
0x86: {  	s2 =	sadd.s32 $0x1, s2;
	s3 =	sadd.s32 $0x10, s0;
	v3 =	vadd.s32 $0x1B58, v3;
	s7 =	sshll.u32 s31, $0x5;
	v12 =	vld.idx.msk [tilespmem:v14+s4+$0x0], $0xffff;
	[tilespmem:s17+$0x280] =	vst v15  }
0x87: {  	s2 =	sand.u32 $0x3, s2;
	s5 =	sor.u32 $0x300, s3;
	v2 =	vadd.s32 $0x1B58, v2;
	s1 =	sadd.s32 s7, s1;
	[tilespmem:s8+$0x280] =	vst v7;
	v8 =	vld.idx.msk [tilespmem:v8+s4+$0x0], $0xffff  }
0x88: {  	s0 =	sor.u32 $0x300, s0;
	s2 =	sshll.u32 s2, $0x5;
	[tilespmem:s5+$0x2780] =	vst v9;
	v5 =	vadd.s32 $0x1B58, v5;
	s7 =	sadd.s32 $0x10, s1;
	v6 =	vld.idx.msk [tilespmem:v6+s4+$0x0], $0xffff  }
0x89: {  	s2 =	sadd.s32 s2, s12;
	v1 =	vld.idx.msk [tilespmem:v1+s4+$0x0], $0xffff;
	v4 =	vadd.s32 $0x1B58, v4;
	[tilespmem:s0+$0x2780] =	vst v11;
	s8 =	sor.u32 $0x300, s7  }
0x8a: {  	s10 =	sadd.s32 $0x10, s2;
	v0 =	vld.idx.msk [tilespmem:v0+s4+$0x0], $0xffff;
	s1 =	sor.u32 $0x300, s1;
	[tilespmem:s8+$0x2780] =	vst v10  }
0x8b: {  	s12 =	sor.u32 $0x300, s10;
	v3 =	vld.idx.msk [tilespmem:v3+s4+$0x0], $0xffff;
	[tilespmem:s1+$0x2780] =	vst v12  }
0x8c: {  	s2 =	sor.u32 $0x300, s2;
	v2 =	vld.idx.msk [tilespmem:v2+s4+$0x0], $0xffff;
	[tilespmem:s12+$0x2780] =	vst v8  }
0x8d: {  	s13 =	sor.u32 $0x380, s3;
	[tilespmem:s2+$0x2780] =	vst v6;
	v5 =	vld.idx.msk [tilespmem:v5+s4+$0x0], $0xffff  }
0x8e: {  	[tilespmem:s13+$0x2780] =	vst v1;
	v1 =	vld.idx.msk [tilespmem:v4+s4+$0x0], $0xffff  }
0x8f: {  	[tilespmem:s29+$0x2780] =	vst v0;
	s15 =	sor.u32 $0x380, s7  }
0x90: {  	[tilespmem:s15+$0x2780] =	vst v3  }
0x91: {  	s0 =	sor.u32 $0x380, s10;
	[tilespmem:s11+$0x2780] =	vst v2  }
0x92: {  	[tilespmem:s0+$0x2780] =	vst v5  }
0x93: {  	[tilespmem:s16+$0x2780] =	vst v1  }
0x94: {  	s28 =	simm.s32 $0x0;
	s16 =	simm.s32 $0x1F80;
	s0 =	rddreg [dreg:$0x8]  }
0x95: {  	[tilespmem:s16], [sflag:$0x2] =	stream.linear.gather [hbm4b:s0+s28], $0x400, $0x38;
	[tilespmem:$0x6780] =	vst v63  }
0x96: {  	s18 =	simm.s32 $0x2780;
	s17 =	rddreg [dreg:$0x9]  }
0x97: {  	[hbm4b:s17+s28] =	stream.linear.scatter [tilespmem:s18], [sflag:$0x4], $0x2000, $0x38;
	[tilespmem:$0x6780] =	vst v63  }
0x98: {  	s20 =	sand.u32 $0x60, s28;
	_ =	swait.ge [sflag:s22], $0x400  }
0x99: {  	s23 =	sand.u32 $0x380, s28;
	s21 =	sor.u32 $0x10, s20;
	[sflag:s22] =	ssyncset.done $0x0  }
0x9a: {  	s2 =	sor.u32 s21, s23;
	[sflag:s22] =	ssyncadd.s32 $0xFFFFFC00  }
0x9b: {  	s26 =	simm.s32 $0x2380;
	v5 =	vld [tilespmem:s2+$0x2380]  }
0x9c: {  	v6 =	vld [tilespmem:s26+$0x0];
	_ =	sdelay $0x6  }
0x9d: {  	v0 =	vld.idx.msk [tilespmem:v5+s4+$0x0], $0xffff  }
0x9e: {  	v1 =	vld.idx.msk [tilespmem:v6+s4+$0x0], $0xffff  }
0x9f: {  	s30 =	sand.u32 $0x1C00, s28;
	s11 =	simm.s32 $0x20;
	v2 =	vadd.s32 $0x3E8, v5  }
0xa0: {  	s3 =	sand.u32 $0x60, s11;
	s2 =	sadd.s32 $0x4780, s30;
	v3 =	vadd.s32 $0x3E8, v6  }
0xa1: {  	s10 =	sand.u32 $0x380, s11;
	s8 =	sor.u32 $0x10, s3;
	s31 =	sor.u32 s21, s2  }
0xa2: {  	s5 =	sor.u32 s20, s2;
	s2 =	sor.u32 s8, s10;
	[tilespmem:s31+$0x0] =	vst v0  }
0xa3: {  	[tilespmem:s5+$0x0] =	vst v1;
	v1 =	vld [tilespmem:s2+$0x2380]  }
0xa4: {  	v2 =	vld.idx.msk [tilespmem:v2+s4+$0x0], $0xffff  }
0xa5: {  	s13 =	simm.s32 $0x23A0;
	v4 =	vadd.s32 $0x7D0, v5;
	v3 =	vld.idx.msk [tilespmem:v3+s4+$0x0], $0xffff  }
0xa6: {  	v7 =	vadd.s32 $0x7D0, v6;
	v0 =	vld [tilespmem:s13+$0x0];
	_ =	sdelay $0x2  }
0xa7: {  	[tilespmem:s31+$0x80] =	vst v2  }
0xa8: {  	[tilespmem:s5+$0x80] =	vst v3;
	v2 =	vld.idx.msk [tilespmem:v4+s4+$0x0], $0xffff  }
0xa9: {  	v3 =	vld.idx.msk [tilespmem:v7+s4+$0x0], $0xffff;
	v4 =	vadd.s32 $0xBB8, v5  }
0xaa: {  	v7 =	vadd.s32 $0xBB8, v6  }
0xab: {  	v8 =	vld.idx.msk [tilespmem:v1+s4+$0x0], $0xffff  }
0xac: {  	s29 =	simm.s32 $0x100;
	s16 =	simm.s32 $0x23C0;
	s13 =	simm.s32 $0x40;
	v10 =	vadd.s32 $0x3E8, v1;
	v9 =	vld.idx.msk [tilespmem:v0+s4+$0x0], $0xffff  }
0xad: {  	s15 =	sand.u32 $0x1C00, s29;
	s17 =	sand.u32 $0x60, s13;
	v11 =	vadd.s32 $0x3E8, v0;
	[tilespmem:s31+$0x100] =	vst v2;
	v2 =	vld [tilespmem:s16+$0x0]  }
0xae: {  	s2 =	sadd.s32 $0x4780, s15;
	s20 =	sand.u32 $0x380, s13;
	s18 =	sor.u32 $0x10, s17;
	[tilespmem:s5+$0x100] =	vst v3;
	v4 =	vld.idx.msk [tilespmem:v4+s4+$0x0], $0xffff  }
0xaf: {  	v12 =	vadd.s32 $0xFA0, v5;
	s10 =	sor.u32 s8, s2;
	s1 =	sor.u32 s18, s20;
	v7 =	vld.idx.msk [tilespmem:v7+s4+$0x0], $0xffff  }
0xb0: {  	s0 =	sor.u32 s3, s2;
	v3 =	vld [tilespmem:s1+$0x2380];
	[tilespmem:s10+$0x0] =	vst v8;
	v8 =	vadd.s32 $0xFA0, v6  }
0xb1: {  	[tilespmem:s0+$0x0] =	vst v9;
	v9 =	vld.idx.msk [tilespmem:v10+s4+$0x0], $0xffff  }
0xb2: {  	v10 =	vld.idx.msk [tilespmem:v11+s4+$0x0], $0xffff;
	v11 =	vadd.s32 $0x7D0, v1  }
0xb3: {  	[tilespmem:s31+$0x180] =	vst v4  }
0xb4: {  	v4 =	vadd.s32 $0x7D0, v0;
	[tilespmem:s5+$0x180] =	vst v7;
	v12 =	vld.idx.msk [tilespmem:v12+s4+$0x0], $0xffff  }
0xb5: {  	v8 =	vld.idx.msk [tilespmem:v8+s4+$0x0], $0xffff  }
0xb6: {  	v7 =	vadd.s32 $0x1388, v5;
	[tilespmem:s10+$0x80] =	vst v9  }
0xb7: {  	[tilespmem:s0+$0x80] =	vst v10;
	v10 =	vadd.s32 $0x1388, v6;
	v9 =	vld.idx.msk [tilespmem:v11+s4+$0x0], $0xffff  }
0xb8: {  	v11 =	vadd.s32 $0xBB8, v1;
	v13 =	vld.idx.msk [tilespmem:v2+s4+$0x0], $0xffff  }
0xb9: {  	s1 =	simm.s32 $0x200;
	v4 =	vld.idx.msk [tilespmem:v4+s4+$0x0], $0xffff;
	[tilespmem:s31+$0x200] =	vst v12  }
0xba: {  	s21 =	sand.u32 $0x1C00, s1;
	v12 =	vadd.s32 $0xBB8, v0;
	[tilespmem:s5+$0x200] =	vst v8;
	v8 =	vld.idx.msk [tilespmem:v3+s4+$0x0], $0xffff  }
0xbb: {  	s23 =	sadd.s32 $0x4780, s21;
	v15 =	vadd.s32 $0x3E8, v3;
	v7 =	vld.idx.msk [tilespmem:v7+s4+$0x0], $0xffff  }
0xbc: {  	v14 =	vadd.s32 $0x1770, v5;
	s9 =	sor.u32 s17, s23;
	v10 =	vld.idx.msk [tilespmem:v10+s4+$0x0], $0xffff;
	[tilespmem:s10+$0x100] =	vst v9  }
0xbd: {  	s26 =	simm.s32 $0x23E0;
	v9 =	vadd.s32 $0x3E8, v2;
	[tilespmem:s9+$0x0] =	vst v13;
	v11 =	vld.idx.msk [tilespmem:v11+s4+$0x0], $0xffff  }
0xbe: {  	s7 =	sor.u32 s18, s23;
	[tilespmem:s0+$0x100] =	vst v4;
	v4 =	vld [tilespmem:s26+$0x0]  }
0xbf: {  	s8 =	simm.s32 $0x60;
	v16 =	vadd.s32 $0xFA0, v1;
	v12 =	vld.idx.msk [tilespmem:v12+s4+$0x0], $0xffff;
	[tilespmem:s7+$0x0] =	vst v8  }
0xc0: {  	s18 =	sand.u32 $0x60, s8;
	[tilespmem:s31+$0x280] =	vst v7;
	v7 =	vadd.s32 $0xFA0, v0;
	v13 =	vld.idx.msk [tilespmem:v15+s4+$0x0], $0xffff  }
0xc1: {  	s21 =	sor.u32 $0x10, s18;
	s31 =	sand.u32 $0x380, s8;
	v8 =	vld.idx.msk [tilespmem:v14+s4+$0x0], $0xffff;
	v14 =	vadd.s32 $0x1770, v6  }
0xc2: {  	v9 =	vld.idx.msk [tilespmem:v9+s4+$0x0], $0xffff;
	s16 =	sor.u32 s21, s31;
	[tilespmem:s10+$0x180] =	vst v11;
	v11 =	vadd.s32 $0x7D0, v3  }
0xc3: {  	s30 =	sand.u32 $0x3, s28;
	v15 =	vadd.s32 $0x1B58, v5;
	v5 =	vld [tilespmem:s16+$0x2380]  }
0xc4: {  	s2 =	sshll.u32 s30, $0x5;
	v16 =	vld.idx.msk [tilespmem:v16+s4+$0x0], $0xffff;
	[tilespmem:s0+$0x180] =	vst v12  }
0xc5: {  	s2 =	sadd.s32 $0x0, s2;
	[tilespmem:s5+$0x280] =	vst v10;
	v12 =	vadd.s32 $0x7D0, v2;
	v7 =	vld.idx.msk [tilespmem:v7+s4+$0x0], $0xffff  }
0xc6: {  	s3 =	sadd.s32 $0x10, s2;
	v17 =	vadd.s32 $0x1388, v1;
	[tilespmem:s7+$0x80] =	vst v13;
	v14 =	vld.idx.msk [tilespmem:v14+s4+$0x0], $0xffff  }
0xc7: {  	s5 =	sor.u32 $0x300, s3;
	[tilespmem:s9+$0x80] =	vst v9;
	v9 =	vld.idx.msk [tilespmem:v11+s4+$0x0], $0xffff  }
0xc8: {  	[tilespmem:s5+$0x4780] =	vst v8;
	v11 =	vadd.s32 $0x1388, v0;
	v10 =	vld.idx.msk [tilespmem:v4+s4+$0x0], $0xffff  }
0xc9: {  	v6 =	vadd.s32 $0x1B58, v6;
	v15 =	vld.idx.msk [tilespmem:v15+s4+$0x0], $0xffff  }
0xca: {  	v18 =	vadd.s32 $0xBB8, v3;
	[tilespmem:s10+$0x200] =	vst v16;
	v12 =	vld.idx.msk [tilespmem:v12+s4+$0x0], $0xffff  }
0xcb: {  	s11 =	sor.u32 s29, s11;
	s2 =	sor.u32 $0x300, s2;
	v16 =	vadd.s32 $0xBB8, v2;
	v8 =	vld.idx.msk [tilespmem:v17+s4+$0x0], $0xffff;
	[tilespmem:s0+$0x200] =	vst v7  }
0xcc: {  	s11 =	sor.u32 $0x380, s11;
	v13 =	vld.idx.msk [tilespmem:v5+s4+$0x0], $0xffff;
	[tilespmem:s2+$0x4780] =	vst v14  }
0xcd: {  	s15 =	sor.u32 s28, s28;
	s20 =	sor.u32 $0x380, s3;
	s17 =	sor.u32 s1, s13;
	v7 =	vld.idx.msk [tilespmem:v11+s4+$0x0], $0xffff;
	[tilespmem:s7+$0x100] =	vst v9;
	v9 =	vadd.s32 $0x1770, v1  }
0xce: {  	s23 =	simm.s32 $0x6;
	s13 =	simm.s32 $0x300;
	s12 =	sor.u32 $0x380, s17;
	v14 =	vadd.s32 $0x3E8, v5;
	v6 =	vld.idx.msk [tilespmem:v6+s4+$0x0], $0xffff;
	[tilespmem:s20+$0x4780] =	vst v15  }
0xcf: {  	s30 =	sand.u32 $0x1C00, s13;
	s17 =	simm.s32 $0x2400;
	s31 =	sor.u32 s13, s8;
	v11 =	vld.idx.msk [tilespmem:v18+s4+$0x0], $0xffff;
	v15 =	vadd.s32 $0x3E8, v4;
	[tilespmem:s9+$0x100] =	vst v12  }
0xd0: {  	s26 =	sor.u32 $0x380, s15;
	s16 =	sor.u32 $0x380, s31;
	s20 =	sadd.s32 $0x4780, s30;
	v12 =	vld.idx.msk [tilespmem:v16+s4+$0x0], $0xffff  }
.LBB2_4:
0xd1: {  	v16 =	vld [tilespmem:s17+$0x0];
	s2 =	sor.u32 s21, s20;
	s8 =	sadd.s32 $0x20, s8;
	v17 =	vadd.s32 $0xFA0, v3;
	[tilespmem:s10+$0x280] =	vst v8;
	s28 =	sadd.s32 $0x1, s28  }
0xd2: {  	s20 =	sor.u32 s18, s20;
	v8 =	vadd.s32 $0xFA0, v2;
	s18 =	sand.u32 $0x60, s8;
	[tilespmem:s2+$0x0] =	vst v13;
	s10 =	sand.u32 $0x3, s28;
	v9 =	vld.idx.msk [tilespmem:v9+s4+$0x0], $0xffff  }
0xd3: {  	s23 =	sadd.s32 $0x2, s23;
	s30 =	sand.u32 $0x380, s8;
	v13 =	vadd.s32 $0x1770, v0;
	s21 =	sor.u32 $0x10, s18;
	[tilespmem:s20+$0x0] =	vst v10;
	v10 =	vld.idx.msk [tilespmem:v14+s4+$0x0], $0xffff  }
0xd4: {  	p0 =	slt.u32 s23, $0x3E;
	s10 =	sshll.u32 s10, $0x5;
	s30 =	sor.u32 s21, s30;
	v14 =	vld.idx.msk [tilespmem:v15+s4+$0x0], $0xffff;
	[tilespmem:s0+$0x280] =	vst v7;
	v7 =	vadd.s32 $0x1B58, v1;
	v1 =	vmov v3;
	v3 =	vmov v5  }
0xd5: {  	s0 =	sadd.s32 s10, s29;
	s10 =	smov.u32 s7;
	v5 =	vld [tilespmem:s30+$0x2380];
	v15 =	vadd.s32 $0x7D0, v3;
	[tilespmem:s7+$0x180] =	vst v11;
	s7 =	smov.u32 s2  }
0xd6: {  	v11 =	vadd.s32 $0x7D0, v4;
	s2 =	sor.u32 $0x300, s0;
	s30 =	sadd.s32 $0x10, s0;
	s0 =	smov.u32 s9;
	[tilespmem:s9+$0x180] =	vst v12;
	v12 =	vld.idx.msk [tilespmem:v17+s4+$0x0], $0xffff  }
0xd7: {  	s29 =	smov.u32 s1;
	s31 =	sor.u32 $0x300, s30;
	s9 =	smov.u32 s20;
	v8 =	vld.idx.msk [tilespmem:v8+s4+$0x0], $0xffff;
	[tilespmem:s26+$0x4780] =	vst v6  }
0xd8: {  	s1 =	smov.u32 s13;
	v6 =	vadd.s32 $0x1388, v1;
	s26 =	smov.u32 s11;
	s11 =	smov.u32 s12;
	v17 =	vld.idx.msk [tilespmem:v13+s4+$0x0], $0xffff;
	[tilespmem:s31+$0x4780] =	vst v9  }
0xd9: {  	s12 =	smov.u32 s16;
	[tilespmem:s7+$0x80] =	vst v10;
	v18 =	vld.idx.msk [tilespmem:v7+s4+$0x0], $0xffff  }
0xda: {  	v7 =	vadd.s32 $0x1388, v2;
	[tilespmem:s9+$0x80] =	vst v14;
	v15 =	vld.idx.msk [tilespmem:v15+s4+$0x0], $0xffff  }
0xdb: {  	v19 =	vadd.s32 $0x1B58, v0;
	v0 =	vmovc v2;
	v2 =	vmov v4;
	v4 =	vmov v16;
	v11 =	vld.idx.msk [tilespmem:v11+s4+$0x0], $0xffff  }
0xdc: {  	v10 =	vld.idx.msk [tilespmem:v16+s4+$0x0], $0xffff;
	v16 =	vadd.s32 $0xBB8, v3;
	[tilespmem:s10+$0x200] =	vst v12  }
0xdd: {  	v12 =	vadd.s32 $0xBB8, v2;
	[tilespmem:s0+$0x200] =	vst v8;
	v8 =	vld.idx.msk [tilespmem:v6+s4+$0x0], $0xffff  }
.Ltmp1:
0xde: {  	v13 =	vld.idx.msk [tilespmem:v5+s4+$0x0], $0xffff;
	[tilespmem:s2+$0x4780] =	vst v17;
	s2 =	sor.u32 $0x380, s30;
	(pc) =	sbr.rel @p0 .LBB2_4-.Ltmp1, $4  }
0xdf: {  	v9 =	vadd.s32 $0x1770, v1;
	v7 =	vld.idx.msk [tilespmem:v7+s4+$0x0], $0xffff;
	[tilespmem:s2+$0x4780] =	vst v18  }
0xe0: {  	s13 =	sadd.s32 $0x100, s13;
	v14 =	vadd.s32 $0x3E8, v5;
	[tilespmem:s7+$0x100] =	vst v15;
	v6 =	vld.idx.msk [tilespmem:v19+s4+$0x0], $0xffff  }
0xe1: {  	s16 =	sor.u32 s13, s8;
	s2 =	sand.u32 $0x1C00, s13;
	v15 =	vadd.s32 $0x3E8, v4;
	[tilespmem:s9+$0x100] =	vst v11;
	v11 =	vld.idx.msk [tilespmem:v16+s4+$0x0], $0xffff  }
0xe2: {  	s17 =	sadd.s32 $0x20, s17;
	s16 =	sor.u32 $0x380, s16;
	s20 =	sadd.s32 $0x4780, s2;
	v12 =	vld.idx.msk [tilespmem:v12+s4+$0x0], $0xffff  }
0xe3: {  	_ =	sdelay $0x1  }
0xe4: {  	s17 =	sor.u32 s21, s20  }
0xe5: {  	s8 =	sor.u32 s18, s20;
	[tilespmem:s17+$0x0] =	vst v13  }
0xe6: {  	[tilespmem:s8+$0x0] =	vst v10;
	v33 =	vld.idx.msk [tilespmem:v14+s4+$0x0], $0xffff  }
0xe7: {  	v35 =	vadd.s32 $0x7D0, v5;
	v34 =	vld.idx.msk [tilespmem:v15+s4+$0x0], $0xffff  }
0xe8: {  	v36 =	vadd.s32 $0x7D0, v4;
	_ =	sdelay $0x2  }
0xe9: {  	[tilespmem:s17+$0x80] =	vst v33  }
0xea: {  	[tilespmem:s8+$0x80] =	vst v34;
	v10 =	vld.idx.msk [tilespmem:v35+s4+$0x0], $0xffff  }
0xeb: {  	v37 =	vadd.s32 $0xBB8, v5;
	v13 =	vld.idx.msk [tilespmem:v36+s4+$0x0], $0xffff  }
0xec: {  	v38 =	vadd.s32 $0xBB8, v4;
	_ =	sdelay $0x1  }
0xed: {  	v16 =	vadd.s32 $0xFA0, v3  }
0xee: {  	v39 =	vadd.s32 $0xFA0, v2;
	[tilespmem:s17+$0x100] =	vst v10  }
0xef: {  	[tilespmem:s8+$0x100] =	vst v13;
	v40 =	vld.idx.msk [tilespmem:v37+s4+$0x0], $0xffff  }
0xf0: {  	v42 =	vadd.s32 $0xFA0, v5;
	v41 =	vld.idx.msk [tilespmem:v38+s4+$0x0], $0xffff  }
0xf1: {  	v17 =	vadd.s32 $0xFA0, v4;
	[tilespmem:s7+$0x180] =	vst v11  }
0xf2: {  	[tilespmem:s9+$0x180] =	vst v12;
	v11 =	vld.idx.msk [tilespmem:v16+s4+$0x0], $0xffff  }
0xf3: {  	v43 =	vadd.s32 $0x1388, v3;
	v10 =	vld.idx.msk [tilespmem:v39+s4+$0x0], $0xffff  }
0xf4: {  	v44 =	vadd.s32 $0x1388, v2;
	[tilespmem:s17+$0x180] =	vst v40  }
0xf5: {  	[tilespmem:s8+$0x180] =	vst v41;
	v45 =	vld.idx.msk [tilespmem:v42+s4+$0x0], $0xffff  }
0xf6: {  	v47 =	vadd.s32 $0x1388, v5;
	v46 =	vld.idx.msk [tilespmem:v17+s4+$0x0], $0xffff  }
0xf7: {  	v48 =	vadd.s32 $0x1388, v4;
	[tilespmem:s7+$0x200] =	vst v11  }
0xf8: {  	v49 =	vadd.s32 $0x1770, v0;
	v50 =	vld.idx.msk [tilespmem:v43+s4+$0x0], $0xffff;
	[tilespmem:s9+$0x200] =	vst v10  }
0xf9: {  	[tilespmem:s10+$0x280] =	vst v8;
	v52 =	vadd.s32 $0x1770, v3;
	v51 =	vld.idx.msk [tilespmem:v44+s4+$0x0], $0xffff  }
0xfa: {  	v53 =	vadd.s32 $0x1770, v2;
	[tilespmem:s17+$0x200] =	vst v45  }
0xfb: {  	[tilespmem:s8+$0x200] =	vst v46;
	v54 =	vld.idx.msk [tilespmem:v47+s4+$0x0], $0xffff  }
0xfc: {  	s2 =	sadd.s32 $0x1, s28;
	v56 =	vadd.s32 $0x1770, v5;
	[tilespmem:s0+$0x280] =	vst v7;
	v55 =	vld.idx.msk [tilespmem:v48+s4+$0x0], $0xffff  }
0xfd: {  	v57 =	vadd.s32 $0x1770, v4;
	s5 =	sand.u32 $0x3, s2;
	s2 =	sadd.s32 $0x1, s2;
	v11 =	vld.idx.msk [tilespmem:v49+s4+$0x0], $0xffff;
	[tilespmem:s7+$0x280] =	vst v50  }
0xfe: {  	v58 =	vadd.s32 $0x1B58, v0;
	s10 =	sand.u32 $0x3, s2;
	v10 =	vld.idx.msk [tilespmem:v52+s4+$0x0], $0xffff;
	[tilespmem:s9+$0x280] =	vst v51  }
0xff: {  	v59 =	vadd.s32 $0x1B58, v3;
	[tilespmem:s26+$0x4780] =	vst v6;
	s0 =	sshll.u32 s5, $0x5;
	s2 =	sadd.s32 $0x1, s2;
	s7 =	sshll.u32 s10, $0x5;
	v12 =	vld.idx.msk [tilespmem:v53+s4+$0x0], $0xffff  }
0x100: {  	v60 =	vadd.s32 $0x1B58, v2;
	v9 =	vld.idx.msk [tilespmem:v9+s4+$0x0], $0xffff;
	s0 =	sadd.s32 s0, s29;
	s2 =	sand.u32 $0x3, s2;
	s1 =	sadd.s32 s7, s1;
	[tilespmem:s17+$0x280] =	vst v54  }
0x101: {  	v1 =	vadd.s32 $0x1B58, v1;
	s15 =	sadd.s32 $0x10, s0;
	s0 =	sor.u32 $0x300, s0;
	s7 =	sadd.s32 $0x10, s1;
	[tilespmem:s8+$0x280] =	vst v55;
	v8 =	vld.idx.msk [tilespmem:v56+s4+$0x0], $0xffff  }
0x102: {  	v61 =	vadd.s32 $0x1B58, v5;
	s2 =	sshll.u32 s2, $0x5;
	[tilespmem:s0+$0x4780] =	vst v11;
	s18 =	sor.u32 $0x300, s7;
	v6 =	vld.idx.msk [tilespmem:v57+s4+$0x0], $0xffff  }
0x103: {  	v62 =	vadd.s32 $0x1B58, v4;
	s2 =	sadd.s32 s2, s13;
	v0 =	vld.idx.msk [tilespmem:v58+s4+$0x0], $0xffff;
	s1 =	sor.u32 $0x300, s1;
	[tilespmem:s18+$0x4780] =	vst v10  }
0x104: {  	s20 =	sadd.s32 $0x10, s2;
	v3 =	vld.idx.msk [tilespmem:v59+s4+$0x0], $0xffff;
	[tilespmem:s1+$0x4780] =	vst v12;
	s17 =	sor.u32 $0x300, s15  }
0x105: {  	s21 =	sor.u32 $0x300, s20;
	v2 =	vld.idx.msk [tilespmem:v60+s4+$0x0], $0xffff;
	[tilespmem:s17+$0x4780] =	vst v9  }
0x106: {  	s2 =	sor.u32 $0x300, s2;
	v1 =	vld.idx.msk [tilespmem:v1+s4+$0x0], $0xffff;
	[tilespmem:s21+$0x4780] =	vst v8  }
0x107: {  	[tilespmem:s2+$0x4780] =	vst v6;
	v5 =	vld.idx.msk [tilespmem:v61+s4+$0x0], $0xffff  }
0x108: {  	s26 =	sor.u32 $0x380, s7;
	[tilespmem:s11+$0x4780] =	vst v0;
	v63 =	vld.idx.msk [tilespmem:v62+s4+$0x0], $0xffff  }
0x109: {  	[tilespmem:s26+$0x4780] =	vst v3  }
0x10a: {  	s23 =	sor.u32 $0x380, s15;
	[tilespmem:s12+$0x4780] =	vst v2  }
0x10b: {  	s0 =	sor.u32 $0x380, s20;
	[tilespmem:s23+$0x4780] =	vst v1  }
0x10c: {  	[tilespmem:s0+$0x4780] =	vst v5  }
0x10d: {  	[tilespmem:s16+$0x4780] =	vst v63  }
0x10e: {  	s29 =	simm.s32 $0x2380;
	s0 =	rddreg [dreg:$0xa]  }
0x10f: {  	[tilespmem:s29], [sflag:$0x3] =	stream.linear.gather [hbm4b:s0+s4], $0x400, $0x38;
	[tilespmem:$0x6780] =	vst v63  }
0x110: {  	s31 =	simm.s32 $0x4780;
	s28 =	simm.s32 $0x1;
	s30 =	rddreg [dreg:$0xb]  }
0x111: {  	[hbm4b:s30+s4] =	stream.linear.scatter [tilespmem:s31], [sflag:$0x5], $0x2000, $0x38;
	[tilespmem:$0x6780] =	vst v63  }
.LBB2_6:
0x112: {  	_ =	swait.ge [sflag:s19], $0x400  }
0x113: {  	[sflag:s19] =	ssyncset.done $0x0  }
0x114: {  	s29 =	simm.s32 $0x0;
	[sflag:s19] =	ssyncadd.s32 $0xFFFFFC00  }
0x115: {  	s0 =	sand.u32 $0x60, s29;
	_ =	swait.ge [sflag:s24], $0x2000  }
0x116: {  	s2 =	sand.u32 $0x380, s29;
	s1 =	sor.u32 $0x10, s0;
	[sflag:s24] =	ssyncset.done $0x0  }
0x117: {  	s2 =	sor.u32 s1, s2;
	[sflag:s24] =	ssyncadd.s32 $0xFFFFE000  }
0x118: {  	s7 =	simm.s32 $0x1F80;
	v5 =	vld [tilespmem:s2+$0x1F80]  }
0x119: {  	v6 =	vld [tilespmem:s7+$0x0];
	_ =	sdelay $0x6  }
0x11a: {  	v0 =	vld.idx.msk [tilespmem:v5+s4+$0x0], $0xffff  }
0x11b: {  	v1 =	vld.idx.msk [tilespmem:v6+s4+$0x0], $0xffff  }
0x11c: {  	s11 =	simm.s32 $0x20;
	s23 =	sand.u32 $0x1C00, s29;
	v2 =	vadd.s32 $0x3E8, v5  }
0x11d: {  	s26 =	sand.u32 $0x60, s11;
	s2 =	sadd.s32 $0x2780, s23  }
0x11e: {  	s3 =	sand.u32 $0x380, s11;
	s31 =	sor.u32 $0x10, s26;
	s9 =	sor.u32 s1, s2;
	v3 =	vadd.s32 $0x3E8, v6  }
0x11f: {  	s12 =	sor.u32 s0, s2;
	s2 =	sor.u32 s31, s3;
	[tilespmem:s9+$0x0] =	vst v0  }
0x120: {  	[tilespmem:s12+$0x0] =	vst v1;
	v1 =	vld [tilespmem:s2+$0x1F80]  }
0x121: {  	s5 =	simm.s32 $0x1FA0;
	v2 =	vld.idx.msk [tilespmem:v2+s4+$0x0], $0xffff  }
0x122: {  	v4 =	vadd.s32 $0x7D0, v5;
	v0 =	vld [tilespmem:s5+$0x0]  }
0x123: {  	v3 =	vld.idx.msk [tilespmem:v3+s4+$0x0], $0xffff  }
0x124: {  	v7 =	vadd.s32 $0x7D0, v6;
	_ =	sdelay $0x1  }
0x125: {  	[tilespmem:s9+$0x80] =	vst v2  }
0x126: {  	v2 =	vld.idx.msk [tilespmem:v4+s4+$0x0], $0xffff  }
0x127: {  	[tilespmem:s12+$0x80] =	vst v3;
	v4 =	vadd.s32 $0xBB8, v5  }
0x128: {  	v3 =	vld.idx.msk [tilespmem:v7+s4+$0x0], $0xffff  }
0x129: {  	v7 =	vadd.s32 $0xBB8, v6;
	v8 =	vld.idx.msk [tilespmem:v1+s4+$0x0], $0xffff  }
0x12a: {  	s30 =	simm.s32 $0x100;
	v10 =	vadd.s32 $0x3E8, v1;
	v9 =	vld.idx.msk [tilespmem:v0+s4+$0x0], $0xffff  }
0x12b: {  	s7 =	sand.u32 $0x1C00, s30;
	v11 =	vadd.s32 $0x3E8, v0;
	[tilespmem:s9+$0x100] =	vst v2  }
0x12c: {  	s8 =	simm.s32 $0x1FC0;
	s2 =	sadd.s32 $0x2780, s7;
	v4 =	vld.idx.msk [tilespmem:v4+s4+$0x0], $0xffff  }
0x12d: {  	s13 =	simm.s32 $0x40;
	v12 =	vadd.s32 $0xFA0, v5;
	s10 =	sor.u32 s31, s2;
	[tilespmem:s12+$0x100] =	vst v3;
	v2 =	vld [tilespmem:s8+$0x0]  }
0x12e: {  	s16 =	sand.u32 $0x60, s13;
	s0 =	sor.u32 s26, s2;
	v7 =	vld.idx.msk [tilespmem:v7+s4+$0x0], $0xffff;
	[tilespmem:s10+$0x0] =	vst v8  }
0x12f: {  	s18 =	sand.u32 $0x380, s13;
	s15 =	sor.u32 $0x10, s16;
	v8 =	vadd.s32 $0xFA0, v6;
	[tilespmem:s0+$0x0] =	vst v9;
	v9 =	vld.idx.msk [tilespmem:v10+s4+$0x0], $0xffff  }
0x130: {  	s1 =	sor.u32 s15, s18;
	v10 =	vld.idx.msk [tilespmem:v11+s4+$0x0], $0xffff;
	v11 =	vadd.s32 $0x7D0, v1  }
0x131: {  	v3 =	vld [tilespmem:s1+$0x1F80];
	[tilespmem:s9+$0x180] =	vst v4  }
0x132: {  	v4 =	vadd.s32 $0x7D0, v0;
	v12 =	vld.idx.msk [tilespmem:v12+s4+$0x0], $0xffff  }
0x133: {  	[tilespmem:s12+$0x180] =	vst v7;
	v7 =	vadd.s32 $0x1388, v5  }
0x134: {  	v8 =	vld.idx.msk [tilespmem:v8+s4+$0x0], $0xffff;
	[tilespmem:s10+$0x80] =	vst v9  }
0x135: {  	[tilespmem:s0+$0x80] =	vst v10;
	v10 =	vadd.s32 $0x1388, v6;
	v9 =	vld.idx.msk [tilespmem:v11+s4+$0x0], $0xffff  }
0x136: {  	v11 =	vadd.s32 $0xBB8, v1;
	v13 =	vld.idx.msk [tilespmem:v2+s4+$0x0], $0xffff  }
0x137: {  	v4 =	vld.idx.msk [tilespmem:v4+s4+$0x0], $0xffff;
	[tilespmem:s9+$0x200] =	vst v12  }
0x138: {  	v12 =	vadd.s32 $0xBB8, v0;
	v7 =	vld.idx.msk [tilespmem:v7+s4+$0x0], $0xffff  }
0x139: {  	v14 =	vadd.s32 $0x1770, v5;
	[tilespmem:s12+$0x200] =	vst v8;
	v8 =	vld.idx.msk [tilespmem:v3+s4+$0x0], $0xffff  }
0x13a: {  	s1 =	simm.s32 $0x200;
	v15 =	vadd.s32 $0x3E8, v3;
	v10 =	vld.idx.msk [tilespmem:v10+s4+$0x0], $0xffff;
	[tilespmem:s10+$0x100] =	vst v9  }
0x13b: {  	s21 =	simm.s32 $0x1FE0;
	s20 =	sand.u32 $0x1C00, s1;
	v11 =	vld.idx.msk [tilespmem:v11+s4+$0x0], $0xffff  }
0x13c: {  	s8 =	simm.s32 $0x60;
	s17 =	sadd.s32 $0x2780, s20;
	v9 =	vadd.s32 $0x3E8, v2;
	[tilespmem:s0+$0x100] =	vst v4;
	v4 =	vld [tilespmem:s21+$0x0]  }
0x13d: {  	v16 =	vadd.s32 $0xFA0, v1;
	s18 =	sand.u32 $0x60, s8;
	s7 =	sor.u32 s15, s17;
	v12 =	vld.idx.msk [tilespmem:v12+s4+$0x0], $0xffff;
	[tilespmem:s9+$0x280] =	vst v7  }
0x13e: {  	s26 =	sand.u32 $0x380, s8;
	s21 =	sor.u32 $0x10, s18;
	[tilespmem:s7+$0x0] =	vst v8;
	s9 =	sor.u32 s16, s17;
	v7 =	vadd.s32 $0xFA0, v0;
	v8 =	vld.idx.msk [tilespmem:v14+s4+$0x0], $0xffff  }
0x13f: {  	s23 =	sand.u32 $0x3, s29;
	s16 =	sor.u32 s21, s26;
	[tilespmem:s9+$0x0] =	vst v13;
	v13 =	vld.idx.msk [tilespmem:v15+s4+$0x0], $0xffff;
	v14 =	vadd.s32 $0x1770, v6  }
0x140: {  	s2 =	sshll.u32 s23, $0x5;
	v15 =	vadd.s32 $0x1B58, v5;
	v5 =	vld [tilespmem:s16+$0x1F80]  }
0x141: {  	s2 =	sadd.s32 $0x0, s2;
	[tilespmem:s10+$0x180] =	vst v11;
	v11 =	vadd.s32 $0x7D0, v3;
	v9 =	vld.idx.msk [tilespmem:v9+s4+$0x0], $0xffff  }
0x142: {  	s31 =	sadd.s32 $0x10, s2;
	v16 =	vld.idx.msk [tilespmem:v16+s4+$0x0], $0xffff;
	[tilespmem:s0+$0x180] =	vst v12  }
0x143: {  	s3 =	sor.u32 $0x300, s31;
	[tilespmem:s12+$0x280] =	vst v10;
	v12 =	vadd.s32 $0x7D0, v2;
	v7 =	vld.idx.msk [tilespmem:v7+s4+$0x0], $0xffff  }
0x144: {  	v17 =	vadd.s32 $0x1388, v1;
	v14 =	vld.idx.msk [tilespmem:v14+s4+$0x0], $0xffff;
	[tilespmem:s3+$0x2780] =	vst v8  }
0x145: {  	[tilespmem:s7+$0x80] =	vst v13;
	v10 =	vld.idx.msk [tilespmem:v4+s4+$0x0], $0xffff  }
0x146: {  	[tilespmem:s9+$0x80] =	vst v9;
	v9 =	vld.idx.msk [tilespmem:v11+s4+$0x0], $0xffff;
	v11 =	vadd.s32 $0x1388, v0  }
0x147: {  	v6 =	vadd.s32 $0x1B58, v6;
	v15 =	vld.idx.msk [tilespmem:v15+s4+$0x0], $0xffff  }
0x148: {  	v18 =	vadd.s32 $0xBB8, v3;
	[tilespmem:s10+$0x200] =	vst v16;
	v12 =	vld.idx.msk [tilespmem:v12+s4+$0x0], $0xffff  }
0x149: {  	s11 =	sor.u32 s30, s11;
	s2 =	sor.u32 $0x300, s2;
	v16 =	vadd.s32 $0xBB8, v2;
	v8 =	vld.idx.msk [tilespmem:v17+s4+$0x0], $0xffff;
	[tilespmem:s0+$0x200] =	vst v7  }
0x14a: {  	s11 =	sor.u32 $0x380, s11;
	v13 =	vld.idx.msk [tilespmem:v5+s4+$0x0], $0xffff;
	[tilespmem:s2+$0x2780] =	vst v14  }
0x14b: {  	s15 =	sor.u32 s1, s13;
	s13 =	simm.s32 $0x300;
	s17 =	sor.u32 $0x380, s31;
	v7 =	vld.idx.msk [tilespmem:v11+s4+$0x0], $0xffff;
	[tilespmem:s7+$0x100] =	vst v9;
	v9 =	vadd.s32 $0x1770, v1  }
0x14c: {  	s5 =	sor.u32 s29, s29;
	s23 =	simm.s32 $0x6;
	s20 =	sand.u32 $0x1C00, s13;
	v14 =	vadd.s32 $0x3E8, v5;
	v6 =	vld.idx.msk [tilespmem:v6+s4+$0x0], $0xffff;
	[tilespmem:s17+$0x2780] =	vst v15  }
0x14d: {  	s20 =	sadd.s32 $0x2780, s20;
	s26 =	sor.u32 $0x380, s5;
	s31 =	sor.u32 s13, s8;
	v15 =	vadd.s32 $0x3E8, v4;
	v11 =	vld.idx.msk [tilespmem:v18+s4+$0x0], $0xffff;
	[tilespmem:s9+$0x100] =	vst v12  }
0x14e: {  	s12 =	sor.u32 $0x380, s15;
	s16 =	sor.u32 $0x380, s31;
	s17 =	simm.s32 $0x2000;
	v12 =	vld.idx.msk [tilespmem:v16+s4+$0x0], $0xffff  }
.LBB2_7:
0x14f: {  	v16 =	vld [tilespmem:s17+$0x0];
	s2 =	sor.u32 s21, s20;
	s8 =	sadd.s32 $0x20, s8;
	v17 =	vadd.s32 $0xFA0, v3;
	[tilespmem:s10+$0x280] =	vst v8;
	s29 =	sadd.s32 $0x1, s29  }
0x150: {  	s20 =	sor.u32 s18, s20;
	v8 =	vadd.s32 $0xFA0, v2;
	s18 =	sand.u32 $0x60, s8;
	[tilespmem:s2+$0x0] =	vst v13;
	s10 =	sand.u32 $0x3, s29;
	v9 =	vld.idx.msk [tilespmem:v9+s4+$0x0], $0xffff  }
0x151: {  	s23 =	sadd.s32 $0x2, s23;
	s31 =	sand.u32 $0x380, s8;
	v13 =	vadd.s32 $0x1770, v0;
	s21 =	sor.u32 $0x10, s18;
	[tilespmem:s20+$0x0] =	vst v10;
	v10 =	vld.idx.msk [tilespmem:v14+s4+$0x0], $0xffff  }
0x152: {  	p0 =	slt.u32 s23, $0x3E;
	s10 =	sshll.u32 s10, $0x5;
	s31 =	sor.u32 s21, s31;
	v14 =	vld.idx.msk [tilespmem:v15+s4+$0x0], $0xffff;
	[tilespmem:s0+$0x280] =	vst v7;
	v7 =	vadd.s32 $0x1B58, v1;
	v1 =	vmov v3;
	v3 =	vmov v5  }
0x153: {  	s0 =	sadd.s32 s10, s30;
	s10 =	smov.u32 s7;
	v5 =	vld [tilespmem:s31+$0x1F80];
	v15 =	vadd.s32 $0x7D0, v3;
	[tilespmem:s7+$0x180] =	vst v11;
	s7 =	smov.u32 s2  }
0x154: {  	v11 =	vadd.s32 $0x7D0, v4;
	s2 =	sor.u32 $0x300, s0;
	s31 =	sadd.s32 $0x10, s0;
	s0 =	smov.u32 s9;
	[tilespmem:s9+$0x180] =	vst v12;
	v12 =	vld.idx.msk [tilespmem:v17+s4+$0x0], $0xffff  }
0x155: {  	s30 =	smov.u32 s1;
	s3 =	sor.u32 $0x300, s31;
	s9 =	smov.u32 s20;
	v8 =	vld.idx.msk [tilespmem:v8+s4+$0x0], $0xffff;
	[tilespmem:s26+$0x2780] =	vst v6  }
0x156: {  	s1 =	smov.u32 s13;
	v6 =	vadd.s32 $0x1388, v1;
	s26 =	smov.u32 s11;
	s11 =	smov.u32 s12;
	v17 =	vld.idx.msk [tilespmem:v13+s4+$0x0], $0xffff;
	[tilespmem:s3+$0x2780] =	vst v9  }
0x157: {  	s12 =	smov.u32 s16;
	[tilespmem:s7+$0x80] =	vst v10;
	v18 =	vld.idx.msk [tilespmem:v7+s4+$0x0], $0xffff  }
0x158: {  	v7 =	vadd.s32 $0x1388, v2;
	[tilespmem:s9+$0x80] =	vst v14;
	v15 =	vld.idx.msk [tilespmem:v15+s4+$0x0], $0xffff  }
0x159: {  	v19 =	vadd.s32 $0x1B58, v0;
	v0 =	vmovc v2;
	v2 =	vmov v4;
	v4 =	vmov v16;
	v11 =	vld.idx.msk [tilespmem:v11+s4+$0x0], $0xffff  }
0x15a: {  	v10 =	vld.idx.msk [tilespmem:v16+s4+$0x0], $0xffff;
	v16 =	vadd.s32 $0xBB8, v3;
	[tilespmem:s10+$0x200] =	vst v12  }
0x15b: {  	v12 =	vadd.s32 $0xBB8, v2;
	[tilespmem:s0+$0x200] =	vst v8;
	v8 =	vld.idx.msk [tilespmem:v6+s4+$0x0], $0xffff  }
.Ltmp2:
0x15c: {  	v13 =	vld.idx.msk [tilespmem:v5+s4+$0x0], $0xffff;
	[tilespmem:s2+$0x2780] =	vst v17;
	s2 =	sor.u32 $0x380, s31;
	(pc) =	sbr.rel @p0 .LBB2_7-.Ltmp2, $4  }
0x15d: {  	v9 =	vadd.s32 $0x1770, v1;
	v7 =	vld.idx.msk [tilespmem:v7+s4+$0x0], $0xffff;
	[tilespmem:s2+$0x2780] =	vst v18  }
0x15e: {  	s13 =	sadd.s32 $0x100, s13;
	v14 =	vadd.s32 $0x3E8, v5;
	[tilespmem:s7+$0x100] =	vst v15;
	v6 =	vld.idx.msk [tilespmem:v19+s4+$0x0], $0xffff  }
0x15f: {  	s3 =	sor.u32 s13, s8;
	s2 =	sand.u32 $0x1C00, s13;
	v15 =	vadd.s32 $0x3E8, v4;
	[tilespmem:s9+$0x100] =	vst v11;
	v11 =	vld.idx.msk [tilespmem:v16+s4+$0x0], $0xffff  }
0x160: {  	s17 =	sadd.s32 $0x20, s17;
	s16 =	sor.u32 $0x380, s3;
	s20 =	sadd.s32 $0x2780, s2;
	v12 =	vld.idx.msk [tilespmem:v12+s4+$0x0], $0xffff  }
0x161: {  	_ =	sdelay $0x1  }
0x162: {  	s17 =	sor.u32 s21, s20  }
0x163: {  	s8 =	sor.u32 s18, s20;
	[tilespmem:s17+$0x0] =	vst v13  }
0x164: {  	[tilespmem:s8+$0x0] =	vst v10;
	v10 =	vld.idx.msk [tilespmem:v14+s4+$0x0], $0xffff  }
0x165: {  	v13 =	vld.idx.msk [tilespmem:v15+s4+$0x0], $0xffff;
	v14 =	vadd.s32 $0x7D0, v5  }
0x166: {  	v15 =	vadd.s32 $0x7D0, v4;
	_ =	sdelay $0x2  }
0x167: {  	[tilespmem:s17+$0x80] =	vst v10  }
0x168: {  	v16 =	vadd.s32 $0xFA0, v3;
	[tilespmem:s8+$0x80] =	vst v13;
	v10 =	vld.idx.msk [tilespmem:v14+s4+$0x0], $0xffff  }
0x169: {  	v13 =	vld.idx.msk [tilespmem:v15+s4+$0x0], $0xffff;
	v14 =	vadd.s32 $0xBB8, v5  }
0x16a: {  	v15 =	vadd.s32 $0xBB8, v4;
	_ =	sdelay $0x1  }
0x16b: {  	[tilespmem:s7+$0x180] =	vst v11  }
0x16c: {  	v11 =	vld.idx.msk [tilespmem:v16+s4+$0x0], $0xffff;
	[tilespmem:s17+$0x100] =	vst v10  }
0x16d: {  	v10 =	vadd.s32 $0xFA0, v2;
	[tilespmem:s8+$0x100] =	vst v13;
	v13 =	vld.idx.msk [tilespmem:v14+s4+$0x0], $0xffff  }
0x16e: {  	v14 =	vld.idx.msk [tilespmem:v15+s4+$0x0], $0xffff;
	v15 =	vadd.s32 $0xFA0, v5  }
0x16f: {  	v17 =	vadd.s32 $0xFA0, v4  }
0x170: {  	[tilespmem:s9+$0x180] =	vst v12  }
0x171: {  	[tilespmem:s7+$0x200] =	vst v11;
	v11 =	vadd.s32 $0x1770, v0  }
0x172: {  	v12 =	vadd.s32 $0x1388, v3;
	v10 =	vld.idx.msk [tilespmem:v10+s4+$0x0], $0xffff;
	[tilespmem:s17+$0x180] =	vst v13  }
0x173: {  	v13 =	vadd.s32 $0x1388, v2;
	[tilespmem:s8+$0x180] =	vst v14;
	v14 =	vld.idx.msk [tilespmem:v15+s4+$0x0], $0xffff  }
0x174: {  	[tilespmem:s10+$0x280] =	vst v8;
	v16 =	vadd.s32 $0x1388, v5;
	v15 =	vld.idx.msk [tilespmem:v17+s4+$0x0], $0xffff  }
0x175: {  	v8 =	vadd.s32 $0x1388, v4;
	[tilespmem:s0+$0x280] =	vst v7  }
0x176: {  	v11 =	vld.idx.msk [tilespmem:v11+s4+$0x0], $0xffff  }
0x177: {  	[tilespmem:s9+$0x200] =	vst v10;
	v10 =	vld.idx.msk [tilespmem:v12+s4+$0x0], $0xffff  }
0x178: {  	v12 =	vld.idx.msk [tilespmem:v13+s4+$0x0], $0xffff;
	v13 =	vadd.s32 $0x1770, v3;
	[tilespmem:s17+$0x200] =	vst v14  }
0x179: {  	v14 =	vadd.s32 $0x1770, v2;
	[tilespmem:s8+$0x200] =	vst v15;
	v15 =	vld.idx.msk [tilespmem:v16+s4+$0x0], $0xffff  }
0x17a: {  	s2 =	sadd.s32 $0x1, s29;
	v7 =	vld.idx.msk [tilespmem:v8+s4+$0x0], $0xffff;
	v8 =	vadd.s32 $0x1770, v5  }
0x17b: {  	s10 =	sand.u32 $0x3, s2;
	[tilespmem:s26+$0x2780] =	vst v6;
	v0 =	vadd.s32 $0x1B58, v0  }
0x17c: {  	v9 =	vld.idx.msk [tilespmem:v9+s4+$0x0], $0xffff;
	s2 =	sadd.s32 $0x1, s2;
	v6 =	vadd.s32 $0x1770, v4;
	s0 =	sshll.u32 s10, $0x5;
	[tilespmem:s7+$0x280] =	vst v10  }
0x17d: {  	v1 =	vadd.s32 $0x1B58, v1;
	s3 =	sand.u32 $0x3, s2;
	s2 =	sadd.s32 $0x1, s2;
	s0 =	sadd.s32 s0, s30;
	v10 =	vld.idx.msk [tilespmem:v13+s4+$0x0], $0xffff;
	[tilespmem:s9+$0x280] =	vst v12  }
0x17e: {  	s3 =	sshll.u32 s3, $0x5;
	s15 =	sadd.s32 $0x10, s0;
	s0 =	sor.u32 $0x300, s0;
	v3 =	vadd.s32 $0x1B58, v3;
	v12 =	vld.idx.msk [tilespmem:v14+s4+$0x0], $0xffff;
	[tilespmem:s17+$0x280] =	vst v15  }
0x17f: {  	s2 =	sand.u32 $0x3, s2;
	s1 =	sadd.s32 s3, s1;
	[tilespmem:s0+$0x2780] =	vst v11;
	v2 =	vadd.s32 $0x1B58, v2;
	v8 =	vld.idx.msk [tilespmem:v8+s4+$0x0], $0xffff  }
0x180: {  	s2 =	sshll.u32 s2, $0x5;
	s3 =	sadd.s32 $0x10, s1;
	v0 =	vld.idx.msk [tilespmem:v0+s4+$0x0], $0xffff;
	v5 =	vadd.s32 $0x1B58, v5;
	s17 =	sor.u32 $0x300, s15;
	[tilespmem:s8+$0x280] =	vst v7  }
0x181: {  	s2 =	sadd.s32 s2, s13;
	s18 =	sor.u32 $0x300, s3;
	[tilespmem:s17+$0x2780] =	vst v9;
	v6 =	vld.idx.msk [tilespmem:v6+s4+$0x0], $0xffff  }
0x182: {  	s1 =	sor.u32 $0x300, s1;
	s20 =	sadd.s32 $0x10, s2;
	v1 =	vld.idx.msk [tilespmem:v1+s4+$0x0], $0xffff;
	[tilespmem:s18+$0x2780] =	vst v10  }
0x183: {  	s21 =	sor.u32 $0x300, s20;
	v4 =	vadd.s32 $0x1B58, v4;
	v3 =	vld.idx.msk [tilespmem:v3+s4+$0x0], $0xffff;
	[tilespmem:s1+$0x2780] =	vst v12  }
0x184: {  	v2 =	vld.idx.msk [tilespmem:v2+s4+$0x0], $0xffff;
	[tilespmem:s21+$0x2780] =	vst v8  }
0x185: {  	s2 =	sor.u32 $0x300, s2;
	[tilespmem:s11+$0x2780] =	vst v0;
	v5 =	vld.idx.msk [tilespmem:v5+s4+$0x0], $0xffff  }
0x186: {  	s23 =	sor.u32 $0x380, s15;
	[tilespmem:s2+$0x2780] =	vst v6  }
0x187: {  	s26 =	sor.u32 $0x380, s3;
	[tilespmem:s23+$0x2780] =	vst v1  }
0x188: {  	v1 =	vld.idx.msk [tilespmem:v4+s4+$0x0], $0xffff;
	[tilespmem:s26+$0x2780] =	vst v3  }
0x189: {  	s29 =	sshll.u32 s28, $0x3;
	s0 =	sor.u32 $0x380, s20;
	s1 =	rddreg [dreg:$0xc];
	[tilespmem:s12+$0x2780] =	vst v2  }
0x18a: {  	s1 =	sadd.s32 s1, s29;
	[tilespmem:s0+$0x2780] =	vst v5  }
0x18b: {  	s1 =	smin.u32 s1, $0x31;
	s0 =	rddreg [dreg:$0x4]  }
0x18c: {  	s31 =	simm.s32 $0x0;
	s2 =	sshll.u32 s1, $0x7;
	s30 =	sor.u32 s0, s29  }
0x18d: {  	s5 =	simm.s32 $0x1F80;
	[tilespmem:s16+$0x2780] =	vst v1;
	s0 =	sadd.s32 s14, s2;
	s3 =	smin.u32 s30, $0x31  }
0x18e: {  	[tilespmem:s5], [sflag:$0x2] =	stream.linear.gather [hbm4b:s0+s31], $0x400, $0x38;
	[tilespmem:$0x6780] =	vst v63  }
0x18f: {  	s7 =	sshll.u32 s3, $0x10  }
0x190: {  	s0 =	sor.u32 s6, s7  }
0x191: {  	s8 =	rddreg [dreg:$0x2];
	s0 =	sshrl.u32 s0, $0x3  }
0x192: {  	s9 =	simm.s32 $0x2780;
	s0 =	sadd.s32 s8, s0  }
0x193: {  	[hbm4b:s0+s31] =	stream.linear.scatter [tilespmem:s9], [sflag:$0x4], $0x2000, $0x38;
	[tilespmem:$0x6780] =	vst v63  }
0x194: {  	_ =	swait.ge [sflag:s22], $0x400  }
0x195: {  	[sflag:s22] =	ssyncset.done $0x0  }
0x196: {  	[sflag:s22] =	ssyncadd.s32 $0xFFFFFC00  }
0x197: {  	s10 =	sand.u32 $0x60, s31;
	_ =	swait.ge [sflag:s25], $0x2000  }
0x198: {  	s11 =	sor.u32 $0x10, s10;
	s12 =	sand.u32 $0x380, s31;
	[sflag:s25] =	ssyncset.done $0x0  }
0x199: {  	s2 =	sor.u32 s11, s12;
	[sflag:s25] =	ssyncadd.s32 $0xFFFFE000  }
0x19a: {  	s13 =	simm.s32 $0x2380;
	v5 =	vld [tilespmem:s2+$0x2380]  }
0x19b: {  	v6 =	vld [tilespmem:s13+$0x0];
	_ =	sdelay $0x6  }
0x19c: {  	v0 =	vld.idx.msk [tilespmem:v5+s4+$0x0], $0xffff  }
0x19d: {  	v1 =	vld.idx.msk [tilespmem:v6+s4+$0x0], $0xffff  }
0x19e: {  	s15 =	smov.u32 s14;
	s14 =	sand.u32 $0x1C00, s31;
	s8 =	simm.s32 $0x20;
	v2 =	vadd.s32 $0x3E8, v5  }
0x19f: {  	s17 =	sand.u32 $0x60, s8;
	s2 =	sadd.s32 $0x4780, s14;
	v3 =	vadd.s32 $0x3E8, v6  }
0x1a0: {  	s20 =	sand.u32 $0x380, s8;
	s18 =	sor.u32 $0x10, s17;
	s16 =	sor.u32 s11, s2  }
0x1a1: {  	s1 =	sor.u32 s18, s20;
	s12 =	sor.u32 s10, s2;
	[tilespmem:s16+$0x0] =	vst v0  }
0x1a2: {  	[tilespmem:s12+$0x0] =	vst v1;
	v1 =	vld [tilespmem:s1+$0x2380]  }
0x1a3: {  	v2 =	vld.idx.msk [tilespmem:v2+s4+$0x0], $0xffff  }
0x1a4: {  	s21 =	simm.s32 $0x23A0;
	v4 =	vadd.s32 $0x7D0, v5;
	v3 =	vld.idx.msk [tilespmem:v3+s4+$0x0], $0xffff  }
0x1a5: {  	v7 =	vadd.s32 $0x7D0, v6;
	v0 =	vld [tilespmem:s21+$0x0];
	_ =	sdelay $0x2  }
0x1a6: {  	[tilespmem:s16+$0x80] =	vst v2  }
0x1a7: {  	[tilespmem:s12+$0x80] =	vst v3;
	v2 =	vld.idx.msk [tilespmem:v4+s4+$0x0], $0xffff  }
0x1a8: {  	v3 =	vld.idx.msk [tilespmem:v7+s4+$0x0], $0xffff;
	v4 =	vadd.s32 $0xBB8, v5  }
0x1a9: {  	v7 =	vadd.s32 $0xBB8, v6  }
0x1aa: {  	s1 =	simm.s32 $0x100;
	v8 =	vld.idx.msk [tilespmem:v1+s4+$0x0], $0xffff  }
0x1ab: {  	s26 =	simm.s32 $0x23C0;
	s13 =	simm.s32 $0x40;
	s23 =	sand.u32 $0x1C00, s1;
	v10 =	vadd.s32 $0x3E8, v1;
	v9 =	vld.idx.msk [tilespmem:v0+s4+$0x0], $0xffff  }
0x1ac: {  	s5 =	sand.u32 $0x60, s13;
	s2 =	sadd.s32 $0x4780, s23;
	v11 =	vadd.s32 $0x3E8, v0;
	[tilespmem:s16+$0x100] =	vst v2;
	v2 =	vld [tilespmem:s26+$0x0]  }
0x1ad: {  	s14 =	sor.u32 $0x10, s5;
	s7 =	sor.u32 s17, s2;
	s17 =	sand.u32 $0x380, s13;
	[tilespmem:s12+$0x100] =	vst v3;
	v4 =	vld.idx.msk [tilespmem:v4+s4+$0x0], $0xffff  }
0x1ae: {  	v12 =	vadd.s32 $0xFA0, v5;
	s11 =	sor.u32 s18, s2;
	s0 =	sor.u32 s14, s17;
	v7 =	vld.idx.msk [tilespmem:v7+s4+$0x0], $0xffff  }
0x1af: {  	v3 =	vld [tilespmem:s0+$0x2380];
	[tilespmem:s11+$0x0] =	vst v8;
	v8 =	vadd.s32 $0xFA0, v6  }
0x1b0: {  	[tilespmem:s7+$0x0] =	vst v9;
	v9 =	vld.idx.msk [tilespmem:v10+s4+$0x0], $0xffff  }
0x1b1: {  	v10 =	vld.idx.msk [tilespmem:v11+s4+$0x0], $0xffff;
	v11 =	vadd.s32 $0x7D0, v1  }
0x1b2: {  	[tilespmem:s16+$0x180] =	vst v4  }
0x1b3: {  	v4 =	vadd.s32 $0x7D0, v0;
	[tilespmem:s12+$0x180] =	vst v7;
	v12 =	vld.idx.msk [tilespmem:v12+s4+$0x0], $0xffff  }
0x1b4: {  	v8 =	vld.idx.msk [tilespmem:v8+s4+$0x0], $0xffff  }
0x1b5: {  	v7 =	vadd.s32 $0x1388, v5;
	[tilespmem:s11+$0x80] =	vst v9  }
0x1b6: {  	[tilespmem:s7+$0x80] =	vst v10;
	v10 =	vadd.s32 $0x1388, v6;
	v9 =	vld.idx.msk [tilespmem:v11+s4+$0x0], $0xffff  }
0x1b7: {  	v11 =	vadd.s32 $0xBB8, v1;
	v13 =	vld.idx.msk [tilespmem:v2+s4+$0x0], $0xffff  }
0x1b8: {  	s0 =	simm.s32 $0x200;
	v4 =	vld.idx.msk [tilespmem:v4+s4+$0x0], $0xffff;
	[tilespmem:s16+$0x200] =	vst v12  }
0x1b9: {  	s18 =	sand.u32 $0x1C00, s0;
	v12 =	vadd.s32 $0xBB8, v0;
	[tilespmem:s12+$0x200] =	vst v8;
	v8 =	vld.idx.msk [tilespmem:v3+s4+$0x0], $0xffff  }
0x1ba: {  	s3 =	sadd.s32 $0x4780, s18;
	v15 =	vadd.s32 $0x3E8, v3;
	v7 =	vld.idx.msk [tilespmem:v7+s4+$0x0], $0xffff  }
0x1bb: {  	v14 =	vadd.s32 $0x1770, v5;
	s10 =	sor.u32 s5, s3;
	v10 =	vld.idx.msk [tilespmem:v10+s4+$0x0], $0xffff;
	[tilespmem:s11+$0x100] =	vst v9  }
0x1bc: {  	s20 =	simm.s32 $0x23E0;
	v9 =	vadd.s32 $0x3E8, v2;
	[tilespmem:s10+$0x0] =	vst v13;
	v11 =	vld.idx.msk [tilespmem:v11+s4+$0x0], $0xffff  }
0x1bd: {  	s9 =	sor.u32 s14, s3;
	[tilespmem:s7+$0x100] =	vst v4;
	v4 =	vld [tilespmem:s20+$0x0]  }
0x1be: {  	v16 =	vadd.s32 $0xFA0, v1;
	s18 =	simm.s32 $0x60;
	v12 =	vld.idx.msk [tilespmem:v12+s4+$0x0], $0xffff;
	[tilespmem:s9+$0x0] =	vst v8  }
0x1bf: {  	s26 =	sand.u32 $0x60, s18;
	[tilespmem:s16+$0x280] =	vst v7;
	v7 =	vadd.s32 $0xFA0, v0;
	v13 =	vld.idx.msk [tilespmem:v15+s4+$0x0], $0xffff  }
0x1c0: {  	s5 =	sand.u32 $0x380, s18;
	s23 =	sor.u32 $0x10, s26;
	v8 =	vld.idx.msk [tilespmem:v14+s4+$0x0], $0xffff;
	v14 =	vadd.s32 $0x1770, v6  }
0x1c1: {  	s3 =	sor.u32 s23, s5;
	v9 =	vld.idx.msk [tilespmem:v9+s4+$0x0], $0xffff;
	[tilespmem:s11+$0x180] =	vst v11;
	v11 =	vadd.s32 $0x7D0, v3  }
0x1c2: {  	s21 =	sand.u32 $0x3, s31;
	v15 =	vadd.s32 $0x1B58, v5;
	v5 =	vld [tilespmem:s3+$0x2380]  }
0x1c3: {  	s2 =	sshll.u32 s21, $0x5;
	v16 =	vld.idx.msk [tilespmem:v16+s4+$0x0], $0xffff;
	[tilespmem:s7+$0x180] =	vst v12  }
0x1c4: {  	s2 =	sadd.s32 $0x0, s2;
	[tilespmem:s12+$0x280] =	vst v10;
	v12 =	vadd.s32 $0x7D0, v2;
	v7 =	vld.idx.msk [tilespmem:v7+s4+$0x0], $0xffff  }
0x1c5: {  	v17 =	vadd.s32 $0x1388, v1;
	s14 =	sadd.s32 $0x10, s2;
	[tilespmem:s9+$0x80] =	vst v13;
	v14 =	vld.idx.msk [tilespmem:v14+s4+$0x0], $0xffff  }
0x1c6: {  	s20 =	sor.u32 $0x300, s14;
	[tilespmem:s10+$0x80] =	vst v9;
	v9 =	vld.idx.msk [tilespmem:v11+s4+$0x0], $0xffff  }
0x1c7: {  	[tilespmem:s20+$0x4780] =	vst v8;
	v11 =	vadd.s32 $0x1388, v0;
	v10 =	vld.idx.msk [tilespmem:v4+s4+$0x0], $0xffff  }
0x1c8: {  	v6 =	vadd.s32 $0x1B58, v6;
	v15 =	vld.idx.msk [tilespmem:v15+s4+$0x0], $0xffff  }
0x1c9: {  	v18 =	vadd.s32 $0xBB8, v3;
	[tilespmem:s11+$0x200] =	vst v16;
	v12 =	vld.idx.msk [tilespmem:v12+s4+$0x0], $0xffff  }
0x1ca: {  	s2 =	sor.u32 $0x300, s2;
	v16 =	vadd.s32 $0xBB8, v2;
	v8 =	vld.idx.msk [tilespmem:v17+s4+$0x0], $0xffff;
	[tilespmem:s7+$0x200] =	vst v7  }
0x1cb: {  	s8 =	sor.u32 s1, s8;
	s21 =	sor.u32 s31, s31;
	v13 =	vld.idx.msk [tilespmem:v5+s4+$0x0], $0xffff;
	[tilespmem:s2+$0x4780] =	vst v14  }
0x1cc: {  	s21 =	sor.u32 $0x380, s21;
	s12 =	sor.u32 $0x380, s8;
	s8 =	sor.u32 $0x380, s14;
	v7 =	vld.idx.msk [tilespmem:v11+s4+$0x0], $0xffff;
	[tilespmem:s9+$0x100] =	vst v9;
	v9 =	vadd.s32 $0x1770, v1  }
0x1cd: {  	s17 =	simm.s32 $0x6;
	s5 =	sor.u32 s0, s13;
	s16 =	simm.s32 $0x300;
	v14 =	vadd.s32 $0x3E8, v5;
	v6 =	vld.idx.msk [tilespmem:v6+s4+$0x0], $0xffff;
	[tilespmem:s8+$0x4780] =	vst v15  }
0x1ce: {  	s13 =	sor.u32 $0x380, s5;
	s14 =	sand.u32 $0x1C00, s16;
	s20 =	sor.u32 s16, s18;
	v11 =	vld.idx.msk [tilespmem:v18+s4+$0x0], $0xffff;
	v15 =	vadd.s32 $0x3E8, v4;
	[tilespmem:s10+$0x100] =	vst v12  }
0x1cf: {  	s2 =	sadd.s32 $0x4780, s14;
	s8 =	sor.u32 $0x380, s20;
	s20 =	simm.s32 $0x2400;
	v12 =	vld.idx.msk [tilespmem:v16+s4+$0x0], $0xffff  }
.LBB2_9:
0x1d0: {  	v16 =	vld [tilespmem:s20+$0x0];
	s3 =	sor.u32 s23, s2;
	s18 =	sadd.s32 $0x20, s18;
	v17 =	vadd.s32 $0xFA0, v3;
	[tilespmem:s11+$0x280] =	vst v8;
	s31 =	sadd.s32 $0x1, s31  }
0x1d1: {  	s2 =	sor.u32 s26, s2;
	v8 =	vadd.s32 $0xFA0, v2;
	s26 =	sand.u32 $0x60, s18;
	[tilespmem:s3+$0x0] =	vst v13;
	s11 =	sand.u32 $0x3, s31;
	v9 =	vld.idx.msk [tilespmem:v9+s4+$0x0], $0xffff  }
0x1d2: {  	s17 =	sadd.s32 $0x2, s17;
	s5 =	sand.u32 $0x380, s18;
	v13 =	vadd.s32 $0x1770, v0;
	s23 =	sor.u32 $0x10, s26;
	[tilespmem:s2+$0x0] =	vst v10;
	v10 =	vld.idx.msk [tilespmem:v14+s4+$0x0], $0xffff  }
0x1d3: {  	p0 =	slt.u32 s17, $0x3E;
	s11 =	sshll.u32 s11, $0x5;
	s5 =	sor.u32 s23, s5;
	v14 =	vld.idx.msk [tilespmem:v15+s4+$0x0], $0xffff;
	[tilespmem:s7+$0x280] =	vst v7;
	v7 =	vadd.s32 $0x1B58, v1;
	v1 =	vmov v3;
	v3 =	vmov v5  }
0x1d4: {  	s1 =	sadd.s32 s11, s1;
	s11 =	smov.u32 s9;
	v5 =	vld [tilespmem:s5+$0x2380];
	v15 =	vadd.s32 $0x7D0, v3;
	[tilespmem:s9+$0x180] =	vst v11;
	s9 =	smov.u32 s3  }
0x1d5: {  	s7 =	smov.u32 s10;
	v11 =	vadd.s32 $0x7D0, v4;
	s3 =	sor.u32 $0x300, s1;
	s5 =	sadd.s32 $0x10, s1;
	[tilespmem:s10+$0x180] =	vst v12;
	v12 =	vld.idx.msk [tilespmem:v17+s4+$0x0], $0xffff  }
0x1d6: {  	s1 =	smov.u32 s0;
	s14 =	sor.u32 $0x300, s5;
	s10 =	smov.u32 s2;
	v8 =	vld.idx.msk [tilespmem:v8+s4+$0x0], $0xffff;
	[tilespmem:s21+$0x4780] =	vst v6  }
0x1d7: {  	s0 =	smov.u32 s16;
	v6 =	vadd.s32 $0x1388, v1;
	s21 =	smov.u32 s12;
	s12 =	smov.u32 s13;
	v17 =	vld.idx.msk [tilespmem:v13+s4+$0x0], $0xffff;
	[tilespmem:s14+$0x4780] =	vst v9  }
0x1d8: {  	s13 =	smov.u32 s8;
	[tilespmem:s9+$0x80] =	vst v10;
	v18 =	vld.idx.msk [tilespmem:v7+s4+$0x0], $0xffff  }
0x1d9: {  	v7 =	vadd.s32 $0x1388, v2;
	[tilespmem:s10+$0x80] =	vst v14;
	v15 =	vld.idx.msk [tilespmem:v15+s4+$0x0], $0xffff  }
0x1da: {  	v19 =	vadd.s32 $0x1B58, v0;
	v0 =	vmovc v2;
	v2 =	vmov v4;
	v4 =	vmov v16;
	v11 =	vld.idx.msk [tilespmem:v11+s4+$0x0], $0xffff  }
0x1db: {  	v10 =	vld.idx.msk [tilespmem:v16+s4+$0x0], $0xffff;
	v16 =	vadd.s32 $0xBB8, v3;
	[tilespmem:s11+$0x200] =	vst v12  }
0x1dc: {  	v12 =	vadd.s32 $0xBB8, v2;
	[tilespmem:s7+$0x200] =	vst v8;
	v8 =	vld.idx.msk [tilespmem:v6+s4+$0x0], $0xffff  }
.Ltmp3:
0x1dd: {  	s2 =	sor.u32 $0x380, s5;
	v13 =	vld.idx.msk [tilespmem:v5+s4+$0x0], $0xffff;
	[tilespmem:s3+$0x4780] =	vst v17;
	(pc) =	sbr.rel @p0 .LBB2_9-.Ltmp3, $4  }
0x1de: {  	v9 =	vadd.s32 $0x1770, v1;
	v7 =	vld.idx.msk [tilespmem:v7+s4+$0x0], $0xffff;
	[tilespmem:s2+$0x4780] =	vst v18  }
0x1df: {  	s16 =	sadd.s32 $0x100, s16;
	v14 =	vadd.s32 $0x3E8, v5;
	[tilespmem:s9+$0x100] =	vst v15;
	v6 =	vld.idx.msk [tilespmem:v19+s4+$0x0], $0xffff  }
0x1e0: {  	s3 =	sor.u32 s16, s18;
	s2 =	sand.u32 $0x1C00, s16;
	v15 =	vadd.s32 $0x3E8, v4;
	[tilespmem:s10+$0x100] =	vst v11;
	v11 =	vld.idx.msk [tilespmem:v16+s4+$0x0], $0xffff  }
0x1e1: {  	s20 =	sadd.s32 $0x20, s20;
	s8 =	sor.u32 $0x380, s3;
	s2 =	sadd.s32 $0x4780, s2;
	v12 =	vld.idx.msk [tilespmem:v12+s4+$0x0], $0xffff  }
0x1e2: {  	_ =	sdelay $0x1  }
0x1e3: {  	s18 =	sor.u32 s23, s2  }
0x1e4: {  	s17 =	sor.u32 s26, s2;
	[tilespmem:s18+$0x0] =	vst v13  }
0x1e5: {  	[tilespmem:s17+$0x0] =	vst v10;
	v33 =	vld.idx.msk [tilespmem:v14+s4+$0x0], $0xffff  }
0x1e6: {  	v35 =	vadd.s32 $0x7D0, v5;
	v34 =	vld.idx.msk [tilespmem:v15+s4+$0x0], $0xffff  }
0x1e7: {  	v36 =	vadd.s32 $0x7D0, v4;
	_ =	sdelay $0x2  }
0x1e8: {  	[tilespmem:s18+$0x80] =	vst v33  }
0x1e9: {  	[tilespmem:s17+$0x80] =	vst v34;
	v10 =	vld.idx.msk [tilespmem:v35+s4+$0x0], $0xffff  }
0x1ea: {  	v37 =	vadd.s32 $0xBB8, v5;
	v13 =	vld.idx.msk [tilespmem:v36+s4+$0x0], $0xffff  }
0x1eb: {  	v38 =	vadd.s32 $0xBB8, v4  }
0x1ec: {  	v16 =	vadd.s32 $0xFA0, v3;
	_ =	sdelay $0x1  }
0x1ed: {  	[tilespmem:s18+$0x100] =	vst v10  }
0x1ee: {  	v39 =	vadd.s32 $0xFA0, v2;
	[tilespmem:s17+$0x100] =	vst v13;
	v40 =	vld.idx.msk [tilespmem:v37+s4+$0x0], $0xffff  }
0x1ef: {  	v42 =	vadd.s32 $0xFA0, v5;
	[tilespmem:s9+$0x180] =	vst v11;
	v41 =	vld.idx.msk [tilespmem:v38+s4+$0x0], $0xffff  }
0x1f0: {  	v17 =	vadd.s32 $0xFA0, v4;
	v11 =	vld.idx.msk [tilespmem:v16+s4+$0x0], $0xffff  }
0x1f1: {  	v43 =	vadd.s32 $0x1388, v3;
	[tilespmem:s11+$0x280] =	vst v8  }
0x1f2: {  	[tilespmem:s10+$0x180] =	vst v12  }
0x1f3: {  	v49 =	vadd.s32 $0x1770, v0;
	v10 =	vld.idx.msk [tilespmem:v39+s4+$0x0], $0xffff;
	[tilespmem:s18+$0x180] =	vst v40  }
0x1f4: {  	v44 =	vadd.s32 $0x1388, v2;
	[tilespmem:s17+$0x180] =	vst v41;
	v45 =	vld.idx.msk [tilespmem:v42+s4+$0x0], $0xffff  }
0x1f5: {  	v47 =	vadd.s32 $0x1388, v5;
	[tilespmem:s9+$0x200] =	vst v11;
	v46 =	vld.idx.msk [tilespmem:v17+s4+$0x0], $0xffff  }
0x1f6: {  	v48 =	vadd.s32 $0x1388, v4;
	s5 =	sadd.s32 $0x1, s31;
	[tilespmem:s7+$0x280] =	vst v7;
	v50 =	vld.idx.msk [tilespmem:v43+s4+$0x0], $0xffff  }
0x1f7: {  	v52 =	vadd.s32 $0x1770, v3;
	s3 =	sand.u32 $0x3, s5;
	v9 =	vld.idx.msk [tilespmem:v9+s4+$0x0], $0xffff;
	[tilespmem:s21+$0x4780] =	vst v6  }
0x1f8: {  	v1 =	vadd.s32 $0x1B58, v1;
	s3 =	sshll.u32 s3, $0x5;
	v11 =	vld.idx.msk [tilespmem:v49+s4+$0x0], $0xffff;
	[tilespmem:s10+$0x200] =	vst v10  }
0x1f9: {  	v58 =	vadd.s32 $0x1B58, v0;
	s1 =	sadd.s32 s3, s1;
	v51 =	vld.idx.msk [tilespmem:v44+s4+$0x0], $0xffff;
	[tilespmem:s18+$0x200] =	vst v45  }
0x1fa: {  	v53 =	vadd.s32 $0x1770, v2;
	s2 =	sadd.s32 $0x1, s5;
	s5 =	sadd.s32 $0x10, s1;
	[tilespmem:s17+$0x200] =	vst v46;
	v54 =	vld.idx.msk [tilespmem:v47+s4+$0x0], $0xffff  }
0x1fb: {  	v56 =	vadd.s32 $0x1770, v5;
	s11 =	sor.u32 $0x300, s5;
	[tilespmem:s9+$0x280] =	vst v50;
	v55 =	vld.idx.msk [tilespmem:v48+s4+$0x0], $0xffff  }
0x1fc: {  	v57 =	vadd.s32 $0x1770, v4;
	s1 =	sor.u32 $0x300, s1;
	[tilespmem:s11+$0x4780] =	vst v9;
	s9 =	sand.u32 $0x3, s2;
	v10 =	vld.idx.msk [tilespmem:v52+s4+$0x0], $0xffff  }
0x1fd: {  	v59 =	vadd.s32 $0x1B58, v3;
	v1 =	vld.idx.msk [tilespmem:v1+s4+$0x0], $0xffff;
	[tilespmem:s1+$0x4780] =	vst v11;
	s3 =	sshll.u32 s9, $0x5  }
0x1fe: {  	v0 =	vld.idx.msk [tilespmem:v58+s4+$0x0], $0xffff;
	s0 =	sadd.s32 s3, s0;
	[tilespmem:s10+$0x280] =	vst v51  }
0x1ff: {  	s2 =	sadd.s32 $0x1, s2;
	s3 =	sadd.s32 $0x10, s0;
	v12 =	vld.idx.msk [tilespmem:v53+s4+$0x0], $0xffff;
	[tilespmem:s18+$0x280] =	vst v54  }
0x200: {  	v60 =	vadd.s32 $0x1B58, v2;
	s2 =	sand.u32 $0x3, s2;
	s14 =	sor.u32 $0x300, s3;
	[tilespmem:s17+$0x280] =	vst v55;
	v8 =	vld.idx.msk [tilespmem:v56+s4+$0x0], $0xffff  }
0x201: {  	v61 =	vadd.s32 $0x1B58, v5;
	s20 =	sor.u32 $0x380, s5;
	s2 =	sshll.u32 s2, $0x5;
	[tilespmem:s14+$0x4780] =	vst v10;
	v6 =	vld.idx.msk [tilespmem:v57+s4+$0x0], $0xffff  }
0x202: {  	v62 =	vadd.s32 $0x1B58, v4;
	[tilespmem:s20+$0x4780] =	vst v1;
	s2 =	sadd.s32 s2, s16;
	v3 =	vld.idx.msk [tilespmem:v59+s4+$0x0], $0xffff  }
0x203: {  	s0 =	sor.u32 $0x300, s0;
	[tilespmem:s12+$0x4780] =	vst v0;
	s17 =	sadd.s32 $0x10, s2  }
0x204: {  	[tilespmem:s0+$0x4780] =	vst v12;
	s18 =	sor.u32 $0x300, s17  }
0x205: {  	v2 =	vld.idx.msk [tilespmem:v60+s4+$0x0], $0xffff;
	s2 =	sor.u32 $0x300, s2;
	[tilespmem:s18+$0x4780] =	vst v8  }
0x206: {  	s21 =	sor.u32 $0x380, s3;
	[tilespmem:s2+$0x4780] =	vst v6;
	v5 =	vld.idx.msk [tilespmem:v61+s4+$0x0], $0xffff  }
0x207: {  	[tilespmem:s21+$0x4780] =	vst v3;
	v63 =	vld.idx.msk [tilespmem:v62+s4+$0x0], $0xffff  }
0x208: {  	s0 =	rddreg [dreg:$0xd]  }
0x209: {  	s0 =	sadd.s32 s0, s29  }
0x20a: {  	s23 =	sor.u32 $0x4, s30;
	s1 =	sor.u32 $0x380, s17;
	[tilespmem:s13+$0x4780] =	vst v2;
	s0 =	smin.u32 s0, $0x31  }
0x20b: {  	s26 =	simm.s32 $0x2380;
	s28 =	sadd.s32 $0x1, s28;
	s0 =	sshll.u32 s0, $0x7;
	[tilespmem:s1+$0x4780] =	vst v5  }
0x20c: {  	p0 =	sne.s32 s28, $0x7;
	s0 =	sadd.s32 s15, s0;
	[tilespmem:s8+$0x4780] =	vst v63;
	s1 =	smin.u32 s23, $0x31  }
0x20d: {  	[tilespmem:s26], [sflag:$0x3] =	stream.linear.gather [hbm4b:s0+s4], $0x400, $0x38;
	[tilespmem:$0x6780] =	vst v63  }
.Ltmp4:
0x20e: {  	s29 =	sshll.u32 s1, $0x10;
	(pc) =	sbr.rel @p0 .LBB2_6-.Ltmp4, $4  }
0x20f: {  	s0 =	sor.u32 s6, s29  }
0x210: {  	s30 =	rddreg [dreg:$0x2];
	s0 =	sshrl.u32 s0, $0x3  }
0x211: {  	s31 =	simm.s32 $0x4780;
	s14 =	smov.u32 s15;
	s0 =	sadd.s32 s30, s0  }
0x212: {  	[hbm4b:s0+s4] =	stream.linear.scatter [tilespmem:s31], [sflag:$0x5], $0x2000, $0x38;
	[tilespmem:$0x6780] =	vst v63  }
0x213: {  	_ =	swait.ge [sflag:s19], $0x400  }
0x214: {  	[sflag:s19] =	ssyncset.done $0x0  }
0x215: {  	[sflag:s19] =	ssyncadd.s32 $0xFFFFFC00  }
0x216: {  	_ =	swait.ge [sflag:s24], $0x2000  }
0x217: {  	[sflag:s24] =	ssyncset.done $0x0  }
0x218: {  	[sflag:s24] =	ssyncadd.s32 $0xFFFFE000  }
0x219: {  	_ =	swait.ge [sflag:s22], $0x400  }
0x21a: {  	[sflag:s22] =	ssyncset.done $0x0  }
0x21b: {  	[sflag:s22] =	ssyncadd.s32 $0xFFFFFC00  }
0x21c: {  	_ =	swait.ge [sflag:s25], $0x2000  }
0x21d: {  	s1 =	rddreg [dreg:$0xf]  }
0x21e: {  	s0 =	rddreg [dreg:$0xe];
	s1 =	sadd.s32 $0x1, s1  }
0x21f: {  	p0 =	sne.s32 s1, s0  }
.Ltmp5:
0x220: {  	_ = 	snop;
	(pc) =	sbr.rel @p0 .LBB2_1-.Ltmp5, $3  }
0x221: {  	_ =	sdelay $0x1  }
0x222: {  	[sflag:s25] =	ssyncset.done $0x0  }
0x223: {  	[sflag:s25] =	ssyncadd.s32 $0xFFFFE000  }
0x224: {  	_ =	sfence.sel $0x180000  }
0x225: {  	[bflag:$0x0] =	sbarrier.arrive $0xFFFF  }
0x226: {  	_ =	strace $0x90000047  }
0x227: {  	s0 =	stileid.u32;
	[bflag:$0x2] =	sbarrier.arrive $0xFFFF  }
0x228: {  	p0 =	sne.s32 s0, $0x0;
	s0 =	rddreg [dreg:$0x3]  }
0x229: {  	s0 =	sadd.s32 @!p0 $0x100000, s0  }
0x22a: {  	[sflag:s0] =	ssyncadd.tile.s32 @!p0 $0x1;
	_ =	shalt  }
.Lfunc_end2:
_tile_overlayer_lowered:
.L_overlay_start_2:
0x22b: {  	(tag) =	ssettag $0x2  }
0x22c: {  	s0 =	rddreg [dreg:$0x0];
	s2 =	stileid.u32  }
0x22d: {  	s1 =	rddreg [dreg:$0x1];
	p0 =	sne.s32 s2, $0x0  }
0x22e: {  	s3 =	rddreg [dreg:$0x2];
	[bflag:$0x3] =	sbarrier.arrive $0xFFFF;
	s2 =	simm.s32 @!p0 $0x1C06  }
0x22f: {  	[timem:s3], [sflag:s2] =	dma.local @!p0 [hbm:s0], s1  }
0x230: {  	s0 =	simm.s32 @!p0 $0x6  }
0x231: {  	_ =	swait.ge @!p0 [sflag:s0], s1  }
0x232: {  	s1 =	ssub.s32 @!p0 $0x0, s1;
	[sflag:s0] =	ssyncset.done @!p0 $0x0  }
0x233: {  	[sflag:s0] =	ssyncadd.s32 @!p0 s1  }
0x234: {  	[bflag:$0x3] =	sbarrier.arrive $0xFFFF  }
0x235: {  	_ =	shalt  }

</sc_bundles>
